<compile_context>
chip_gen: v7x
topology: tpu7x:2x2x1
jax: 0.10.2.dev20260603
libtpu: 0.0.44.dev20260713+nightly
codegen_flags: <defaults>
</compile_context>

<pallas_src>
import functools

import jax
import jax.numpy as jnp
from jax import lax
from jax.experimental import pallas as pl
from jax.experimental.pallas import tpu as pltpu
from jax.experimental.pallas import tpu_sc as plsc

N = 10000
E = 320000
D = 128

NC = 2
NS = 16
NW = NC * NS

NP = 10240
EP = 327680
EPW = EP // NW
CH = 128
NCHUNK = EPW // CH
RPT = NP // NS
NSTRIPE = RPT // CH


def _zero_stripe(sh, stage_v, r0):
    for k in range(NSTRIPE):
        pltpu.sync_copy(stage_v, sh.at[pl.ds(r0 + k * CH, CH)])


def _writeback_stripe(sh, stage_v, out, r0, c):
    for k in range(NSTRIPE):
        pltpu.sync_copy(sh.at[pl.ds(r0 + k * CH, CH)], stage_v)
        pltpu.sync_copy(stage_v, out.at[pl.ds(c * NP + r0 + k * CH, CH)])


def _sc_agg_body(table, srcm, dstm, zrows, agg_out,
                 src_v, dst_v, rows_v, agg_sh, sem):
    c = lax.axis_index("c")
    s = lax.axis_index("s")
    wid = s * NC + c
    r0 = s * RPT
    pltpu.sync_copy(zrows, rows_v)
    _zero_stripe(agg_sh, rows_v, r0)
    plsc.subcore_barrier()

    base = wid * EPW

    def chunk(j, carry):
        pltpu.sync_copy(srcm.at[pl.ds(base + j * CH, CH)], src_v)
        pltpu.sync_copy(dstm.at[pl.ds(base + j * CH, CH)], dst_v)
        pltpu.async_copy(table.at[src_v], rows_v, sem).wait()
        pltpu.sync_copy(rows_v, agg_sh.at[dst_v], add=True)
        return carry

    lax.fori_loop(0, NCHUNK, chunk, 0)
    plsc.subcore_barrier()
    _writeback_stripe(agg_sh, rows_v, agg_out, r0, c)


def _sc_cnt_body(dstm, zrows, ones, cnt_out, dst_v, rows_v, cnt_sh):
    c = lax.axis_index("c")
    s = lax.axis_index("s")
    wid = s * NC + c
    r0 = s * RPT
    pltpu.sync_copy(zrows, rows_v)
    _zero_stripe(cnt_sh, rows_v, r0)
    pltpu.sync_copy(ones, rows_v)
    plsc.subcore_barrier()

    base = wid * EPW

    def chunk(j, carry):
        pltpu.sync_copy(dstm.at[pl.ds(base + j * CH, CH)], dst_v)
        pltpu.sync_copy(rows_v, cnt_sh.at[dst_v], add=True)
        return carry

    lax.fori_loop(0, NCHUNK, chunk, 0)
    plsc.subcore_barrier()
    _writeback_stripe(cnt_sh, rows_v, cnt_out, r0, c)


def _sc_mesh():
    return plsc.VectorSubcoreMesh(core_axis_name="c", subcore_axis_name="s")


@functools.lru_cache(maxsize=None)
def _sc_agg():
    return pl.kernel(
        _sc_agg_body,
        out_type=jax.ShapeDtypeStruct((NC * NP, D), jnp.float32),
        mesh=_sc_mesh(),
        scratch_types=[
            pltpu.VMEM((CH,), jnp.int32),
            pltpu.VMEM((CH,), jnp.int32),
            pltpu.VMEM((CH, D), jnp.float32),
            pltpu.VMEM_SHARED((NP, D), jnp.float32),
            pltpu.SemaphoreType.DMA,
        ],
    )


@functools.lru_cache(maxsize=None)
def _sc_cnt():
    return pl.kernel(
        _sc_cnt_body,
        out_type=jax.ShapeDtypeStruct((NC * NP, D), jnp.float32),
        mesh=_sc_mesh(),
        scratch_types=[
            pltpu.VMEM((CH,), jnp.int32),
            pltpu.VMEM((CH, D), jnp.float32),
            pltpu.VMEM_SHARED((NP, D), jnp.float32),
        ],
    )


_BLK = 640
_GRID = NP // _BLK

_DN = (((1,), (1,)), ((), ()))


def _tc_layer1_body(x_r, aggA_r, aggB_r, cntA_r, cntB_r, wl_r, wr_r, bl_r,
                    g_r, b_r, o_r):
    x = x_r[...]
    cnt = cntA_r[:, :1] + cntB_r[:, :1] + 1.0
    mean = (aggA_r[...] + aggB_r[...] + x) / cnt
    h = lax.dot_general(mean, wl_r[...], _DN, preferred_element_type=jnp.float32)
    h = h + lax.dot_general(x, wr_r[...], _DN, preferred_element_type=jnp.float32)
    h = jnp.maximum(h + bl_r[...], 0.0)
    mu = jnp.mean(h, axis=1, keepdims=True)
    var = jnp.mean((h - mu) * (h - mu), axis=1, keepdims=True)
    o_r[...] = (h - mu) * lax.rsqrt(var + 1e-5) * g_r[...] + b_r[...]


def _tc_layer2_body(h1_r, aggA_r, aggB_r, cntA_r, cntB_r, wl_r, wr_r, bl_r,
                    g_r, b_r, wo_r, bo_r, o_r):
    h1 = h1_r[...]
    cnt = cntA_r[:, :1] + cntB_r[:, :1] + 1.0
    mean = (aggA_r[...] + aggB_r[...] + h1) / cnt
    h = lax.dot_general(mean, wl_r[...], _DN, preferred_element_type=jnp.float32)
    h = h + lax.dot_general(h1, wr_r[...], _DN, preferred_element_type=jnp.float32)
    h = jnp.maximum(h + bl_r[...], 0.0)
    mu = jnp.mean(h, axis=1, keepdims=True)
    var = jnp.mean((h - mu) * (h - mu), axis=1, keepdims=True)
    h = (h - mu) * lax.rsqrt(var + 1e-5) * g_r[...] + b_r[...]
    o = lax.dot_general(h, wo_r[...], _DN, preferred_element_type=jnp.float32)
    o = o + bo_r[...]
    m = jnp.max(o, axis=1, keepdims=True)
    lse = m + jnp.log(jnp.sum(jnp.exp(o - m), axis=1, keepdims=True))
    o_r[...] = o - lse


def _row_spec(i_off=0, w=D):
    return pl.BlockSpec((_BLK, w), lambda i, o=i_off: (i + o, 0))


def _full_spec(r, c):
    return pl.BlockSpec((r, c), lambda i: (0, 0))


_tc_layer1 = pl.pallas_call(
    _tc_layer1_body,
    grid=(_GRID,),
    in_specs=[
        _row_spec(), _row_spec(), _row_spec(_GRID),
        _row_spec(), _row_spec(_GRID),
        _full_spec(D, D), _full_spec(D, D),
        _full_spec(1, D), _full_spec(1, D), _full_spec(1, D),
    ],
    out_specs=_row_spec(),
    out_shape=jax.ShapeDtypeStruct((NP, D), jnp.float32),
)

_tc_layer2 = pl.pallas_call(
    _tc_layer2_body,
    grid=(_GRID,),
    in_specs=[
        _row_spec(), _row_spec(), _row_spec(_GRID),
        _row_spec(), _row_spec(_GRID),
        _full_spec(D, D), _full_spec(D, D),
        _full_spec(1, D), _full_spec(1, D), _full_spec(1, D),
        _full_spec(D, D), _full_spec(1, D),
    ],
    out_specs=_row_spec(),
    out_shape=jax.ShapeDtypeStruct((NP, D), jnp.float32),
)


def kernel(x, edge_index, Wl1, bl1, Wr1, Wl2, bl2, Wr2, g1, b1, g2, b2, Wo, bo):
    f32 = jnp.float32
    x_pad = jnp.pad(x, ((0, NP - N), (0, 0)))
    pad = EP - E
    srcm = jnp.concatenate([edge_index[0], jnp.zeros((pad,), jnp.int32)])
    dstm = jnp.concatenate([edge_index[1], jnp.full((pad,), N, jnp.int32)])
    zrows = jnp.zeros((CH, D), f32)
    ones = jnp.ones((CH, D), f32)

    cnt = _sc_cnt()(dstm, zrows, ones)
    agg1 = _sc_agg()(x_pad, srcm, dstm, zrows)
    bl1r, g1r, b1r = bl1.reshape(1, D), g1.reshape(1, D), b1.reshape(1, D)
    h1 = _tc_layer1(x_pad, agg1, agg1, cnt, cnt, Wl1, Wr1, bl1r, g1r, b1r)

    agg2 = _sc_agg()(h1, srcm, dstm, zrows)
    bl2r, g2r, b2r = bl2.reshape(1, D), g2.reshape(1, D), b2.reshape(1, D)
    bor = bo.reshape(1, D)
    out = _tc_layer2(h1, agg2, agg2, cnt, cnt, Wl2, Wr2, bl2r, g2r, b2r,
                     Wo, bor)
    return out[:N]

# --- scband reference (transcript-rebuilt; emitter-appended) ---
"""Pipeline reference for scband-gnn-17746804867649 (READ-ONLY COPY).

The authoritative reference and input builder live on the scoring server;
editing this copy changes nothing except your own understanding.
"""

import jax, jax.numpy as jnp
import numpy as np

N = 10000
E = 320000
D = 128
H = 128
O = 128

def setup_inputs(seed: int = 0) -> dict:
    key = jax.random.key(seed)
    ks = jax.random.split(key, 16)
    x = jax.random.normal(ks[0], (N, D), dtype=jnp.float32)
    edge_index = jax.random.randint(ks[1], (2, E), 0, N, dtype=jnp.int32)
    s = 0.05
    Wl1 = jax.random.normal(ks[2], (H, D), dtype=jnp.float32) * s
    bl1 = jax.random.normal(ks[3], (H,), dtype=jnp.float32) * s
    Wr1 = jax.random.normal(ks[4], (H, D), dtype=jnp.float32) * s
    Wl2 = jax.random.normal(ks[5], (H, H), dtype=jnp.float32) * s
    bl2 = jax.random.normal(ks[6], (H,), dtype=jnp.float32) * s
    Wr2 = jax.random.normal(ks[7], (H, H), dtype=jnp.float32) * s
    g1 = jnp.ones((H,), dtype=jnp.float32)
    b1 = jnp.zeros((H,), dtype=jnp.float32)
    g2 = jnp.ones((H,), dtype=jnp.float32)
    b2 = jnp.zeros((H,), dtype=jnp.float32)
    Wo = jax.random.normal(ks[8], (O, H), dtype=jnp.float32) * s
    bo = jax.random.normal(ks[9], (O,), dtype=jnp.float32) * s
    return {"x": x, "edge_index": edge_index, "Wl1": Wl1, "bl1": bl1, "Wr1": Wr1,
            "Wl2": Wl2, "bl2": bl2, "Wr2": Wr2, "g1": g1, "b1": b1, "g2": g2, "b2": b2,
            "Wo": Wo, "bo": bo}

def _layer_norm(h, g, b):
    mu = jnp.mean(h, axis=-1, keepdims=True)
    var = jnp.var(h, axis=-1, keepdims=True)
    return (h - mu) / jnp.sqrt(var + 1e-5) * g + b

def reference(x, edge_index, Wl1, bl1, Wr1, Wl2, bl2, Wr2, g1, b1, g2, b2, Wo, bo):
    n = x.shape[0]
    # add_self_loops (done once in GNN.forward)
    loops = jnp.arange(n, dtype=edge_index.dtype)
    src = jnp.concatenate([edge_index[0], loops])
    dst = jnp.concatenate([edge_index[1], loops])

    def sage(h, Wl, bl, Wr):
        # PyG SAGEConv (mean aggregation): out = lin_l(mean_j x_j) + lin_r(x_i)
        msgs = h[src]
        agg = jax.ops.segment_sum(msgs, dst, num_segments=n)
        cnt = jax.ops.segment_sum(jnp.ones_like(src, dtype=h.dtype), dst, num_segments=n)
        mean = agg / jnp.maximum(cnt, 1.0)[:, None]
        return mean @ Wl.T + bl + h @ Wr.T

    # dropout p=0.0 (eval mode) -> identity
    h = sage(x, Wl1, bl1, Wr1)
    h = jax.nn.relu(h)
    h = _layer_norm(h, g1, b1)
    h = sage(h, Wl2, bl2, Wr2)
    h = jax.nn.relu(h)
    h = _layer_norm(h, g2, b2)
    out = h @ Wo.T + bo
    return jax.nn.log_softmax(out, axis=1)

if __name__ == "__main__":
    import jax
    _d = setup_inputs()
    print(jax.jit(kernel)(*tuple(_d.values())))

</pallas_src>

<mosaic_0001>
#map = affine_map<(d0, d1) -> (0)>
#map1 = affine_map<(d0, d1) -> (0, 0)>
module attributes {stable_mosaic.version = 14 : i64} {
  func.func @_sc_cnt_body(%arg0: i32, %arg1: i32, %arg2: memref<327680xi32, #tpu.memory_space<hbm>>, %arg3: memref<128x128xf32, #tpu.memory_space<hbm>>, %arg4: memref<128x128xf32, #tpu.memory_space<hbm>>, %arg5: memref<20480x128xf32, #tpu.memory_space<hbm>>, %arg6: memref<128xi32, #tpu.memory_space<vmem>>, %arg7: memref<128x128xf32, #tpu.memory_space<vmem>>, %arg8: memref<10240x128xf32, #tpu.memory_space<vmem_shared>>) attributes {dimension_semantics = [#tpu.dimension_semantics<core_parallel>, #tpu.dimension_semantics<subcore_parallel>], iteration_bounds = array<i64: 2, 16>, scalar_prefetch = 0 : i64, scratch_operands = 3 : i64, tpu.core_type = #tpu.core_type<sc_vector_subcore>, window_params = [{transform_indices = #map}, {transform_indices = #map1}, {transform_indices = #map1}, {transform_indices = #map1}]} {
    %mul3A = arith.constant 2 : i32
    %mul3A_0 = arith.muli %arg1, %mul3A : i32
    %add3A = arith.addi %mul3A_0, %arg0 : i32
    %mul3A_1 = arith.constant 640 : i32
    %mul3A_2 = arith.muli %arg1, %mul3A_1 : i32
    "tpu.region"() ({
      %run_scoped3A = tpu.sem_alloc : memref<!tpu.dma_semaphore, #tpu.memory_space<semaphore_mem>>
      tpu.enqueue_dma source(%arg3 : memref<128x128xf32, #tpu.memory_space<hbm>>) target(%arg7 : memref<128x128xf32, #tpu.memory_space<vmem>>) target_semaphore(%run_scoped3A : memref<!tpu.dma_semaphore, #tpu.memory_space<semaphore_mem>>)
      tpu.wait_dma2 semaphore(%run_scoped3A : memref<!tpu.dma_semaphore, #tpu.memory_space<semaphore_mem>>) src(%arg3 : memref<128x128xf32, #tpu.memory_space<hbm>>) dst(%arg7 : memref<128x128xf32, #tpu.memory_space<vmem>>)
      tpu.yield
    }) : () -> ()
    %add3A_3 = arith.constant 0 : i32
    %add3A_4 = arith.addi %mul3A_2, %add3A_3 : i32
    "tpu.region"() ({
      %run_scoped3A = tpu.sem_alloc : memref<!tpu.dma_semaphore, #tpu.memory_space<semaphore_mem>>
      %dma_start3A = arith.constant 0 : i32
      %dma_start3A_56 = tpu.memref_slice %arg8[%add3A_4, %dma_start3A] : memref<10240x128xf32, #tpu.memory_space<vmem_shared>> -> memref<128x128xf32, #tpu.memory_space<vmem_shared>>
      %dma_start3A_57 = arith.constant 0 : i32
      %dma_start3A_58 = tpu.memref_slice %arg8[%add3A_4, %dma_start3A_57] : memref<10240x128xf32, #tpu.memory_space<vmem_shared>> -> memref<128x128xf32, #tpu.memory_space<vmem_shared>>
      tpu.enqueue_dma source(%arg7 : memref<128x128xf32, #tpu.memory_space<vmem>>) target(%dma_start3A_58 : memref<128x128xf32, #tpu.memory_space<vmem_shared>>) target_semaphore(%run_scoped3A : memref<!tpu.dma_semaphore, #tpu.memory_space<semaphore_mem>>)
      %dma_wait3A = arith.constant 0 : i32
      %dma_wait3A_59 = tpu.memref_slice %arg8[%add3A_4, %dma_wait3A] : memref<10240x128xf32, #tpu.memory_space<vmem_shared>> -> memref<128x128xf32, #tpu.memory_space<vmem_shared>>
      %dma_wait3A_60 = arith.constant 0 : i32
      %dma_wait3A_61 = tpu.memref_slice %arg8[%add3A_4, %dma_wait3A_60] : memref<10240x128xf32, #tpu.memory_space<vmem_shared>> -> memref<128x128xf32, #tpu.memory_space<vmem_shared>>
      tpu.wait_dma2 semaphore(%run_scoped3A : memref<!tpu.dma_semaphore, #tpu.memory_space<semaphore_mem>>) src(%arg7 : memref<128x128xf32, #tpu.memory_space<vmem>>) dst(%dma_wait3A_61 : memref<128x128xf32, #tpu.memory_space<vmem_shared>>)
      tpu.yield
    }) : () -> ()
    %add3A_5 = arith.constant 128 : i32
    %add3A_6 = arith.addi %mul3A_2, %add3A_5 : i32
    "tpu.region"() ({
      %run_scoped3A = tpu.sem_alloc : memref<!tpu.dma_semaphore, #tpu.memory_space<semaphore_mem>>
      %dma_start3A = arith.constant 0 : i32
      %dma_start3A_56 = tpu.memref_slice %arg8[%add3A_6, %dma_start3A] : memref<10240x128xf32, #tpu.memory_space<vmem_shared>> -> memref<128x128xf32, #tpu.memory_space<vmem_shared>>
      %dma_start3A_57 = arith.constant 0 : i32
      %dma_start3A_58 = tpu.memref_slice %arg8[%add3A_6, %dma_start3A_57] : memref<10240x128xf32, #tpu.memory_space<vmem_shared>> -> memref<128x128xf32, #tpu.memory_space<vmem_shared>>
      tpu.enqueue_dma source(%arg7 : memref<128x128xf32, #tpu.memory_space<vmem>>) target(%dma_start3A_58 : memref<128x128xf32, #tpu.memory_space<vmem_shared>>) target_semaphore(%run_scoped3A : memref<!tpu.dma_semaphore, #tpu.memory_space<semaphore_mem>>)
      %dma_wait3A = arith.constant 0 : i32
      %dma_wait3A_59 = tpu.memref_slice %arg8[%add3A_6, %dma_wait3A] : memref<10240x128xf32, #tpu.memory_space<vmem_shared>> -> memref<128x128xf32, #tpu.memory_space<vmem_shared>>
      %dma_wait3A_60 = arith.constant 0 : i32
      %dma_wait3A_61 = tpu.memref_slice %arg8[%add3A_6, %dma_wait3A_60] : memref<10240x128xf32, #tpu.memory_space<vmem_shared>> -> memref<128x128xf32, #tpu.memory_space<vmem_shared>>
      tpu.wait_dma2 semaphore(%run_scoped3A : memref<!tpu.dma_semaphore, #tpu.memory_space<semaphore_mem>>) src(%arg7 : memref<128x128xf32, #tpu.memory_space<vmem>>) dst(%dma_wait3A_61 : memref<128x128xf32, #tpu.memory_space<vmem_shared>>)
      tpu.yield
    }) : () -> ()
    %add3A_7 = arith.constant 256 : i32
    %add3A_8 = arith.addi %mul3A_2, %add3A_7 : i32
    "tpu.region"() ({
      %run_scoped3A = tpu.sem_alloc : memref<!tpu.dma_semaphore, #tpu.memory_space<semaphore_mem>>
      %dma_start3A = arith.constant 0 : i32
      %dma_start3A_56 = tpu.memref_slice %arg8[%add3A_8, %dma_start3A] : memref<10240x128xf32, #tpu.memory_space<vmem_shared>> -> memref<128x128xf32, #tpu.memory_space<vmem_shared>>
      %dma_start3A_57 = arith.constant 0 : i32
      %dma_start3A_58 = tpu.memref_slice %arg8[%add3A_8, %dma_start3A_57] : memref<10240x128xf32, #tpu.memory_space<vmem_shared>> -> memref<128x128xf32, #tpu.memory_space<vmem_shared>>
      tpu.enqueue_dma source(%arg7 : memref<128x128xf32, #tpu.memory_space<vmem>>) target(%dma_start3A_58 : memref<128x128xf32, #tpu.memory_space<vmem_shared>>) target_semaphore(%run_scoped3A : memref<!tpu.dma_semaphore, #tpu.memory_space<semaphore_mem>>)
      %dma_wait3A = arith.constant 0 : i32
      %dma_wait3A_59 = tpu.memref_slice %arg8[%add3A_8, %dma_wait3A] : memref<10240x128xf32, #tpu.memory_space<vmem_shared>> -> memref<128x128xf32, #tpu.memory_space<vmem_shared>>
      %dma_wait3A_60 = arith.constant 0 : i32
      %dma_wait3A_61 = tpu.memref_slice %arg8[%add3A_8, %dma_wait3A_60] : memref<10240x128xf32, #tpu.memory_space<vmem_shared>> -> memref<128x128xf32, #tpu.memory_space<vmem_shared>>
      tpu.wait_dma2 semaphore(%run_scoped3A : memref<!tpu.dma_semaphore, #tpu.memory_space<semaphore_mem>>) src(%arg7 : memref<128x128xf32, #tpu.memory_space<vmem>>) dst(%dma_wait3A_61 : memref<128x128xf32, #tpu.memory_space<vmem_shared>>)
      tpu.yield
    }) : () -> ()
    %add3A_9 = arith.constant 384 : i32
    %add3A_10 = arith.addi %mul3A_2, %add3A_9 : i32
    "tpu.region"() ({
      %run_scoped3A = tpu.sem_alloc : memref<!tpu.dma_semaphore, #tpu.memory_space<semaphore_mem>>
      %dma_start3A = arith.constant 0 : i32
      %dma_start3A_56 = tpu.memref_slice %arg8[%add3A_10, %dma_start3A] : memref<10240x128xf32, #tpu.memory_space<vmem_shared>> -> memref<128x128xf32, #tpu.memory_space<vmem_shared>>
      %dma_start3A_57 = arith.constant 0 : i32
      %dma_start3A_58 = tpu.memref_slice %arg8[%add3A_10, %dma_start3A_57] : memref<10240x128xf32, #tpu.memory_space<vmem_shared>> -> memref<128x128xf32, #tpu.memory_space<vmem_shared>>
      tpu.enqueue_dma source(%arg7 : memref<128x128xf32, #tpu.memory_space<vmem>>) target(%dma_start3A_58 : memref<128x128xf32, #tpu.memory_space<vmem_shared>>) target_semaphore(%run_scoped3A : memref<!tpu.dma_semaphore, #tpu.memory_space<semaphore_mem>>)
      %dma_wait3A = arith.constant 0 : i32
      %dma_wait3A_59 = tpu.memref_slice %arg8[%add3A_10, %dma_wait3A] : memref<10240x128xf32, #tpu.memory_space<vmem_shared>> -> memref<128x128xf32, #tpu.memory_space<vmem_shared>>
      %dma_wait3A_60 = arith.constant 0 : i32
      %dma_wait3A_61 = tpu.memref_slice %arg8[%add3A_10, %dma_wait3A_60] : memref<10240x128xf32, #tpu.memory_space<vmem_shared>> -> memref<128x128xf32, #tpu.memory_space<vmem_shared>>
      tpu.wait_dma2 semaphore(%run_scoped3A : memref<!tpu.dma_semaphore, #tpu.memory_space<semaphore_mem>>) src(%arg7 : memref<128x128xf32, #tpu.memory_space<vmem>>) dst(%dma_wait3A_61 : memref<128x128xf32, #tpu.memory_space<vmem_shared>>)
      tpu.yield
    }) : () -> ()
    %add3A_11 = arith.constant 512 : i32
    %add3A_12 = arith.addi %mul3A_2, %add3A_11 : i32
    "tpu.region"() ({
      %run_scoped3A = tpu.sem_alloc : memref<!tpu.dma_semaphore, #tpu.memory_space<semaphore_mem>>
      %dma_start3A = arith.constant 0 : i32
      %dma_start3A_56 = tpu.memref_slice %arg8[%add3A_12, %dma_start3A] : memref<10240x128xf32, #tpu.memory_space<vmem_shared>> -> memref<128x128xf32, #tpu.memory_space<vmem_shared>>
      %dma_start3A_57 = arith.constant 0 : i32
      %dma_start3A_58 = tpu.memref_slice %arg8[%add3A_12, %dma_start3A_57] : memref<10240x128xf32, #tpu.memory_space<vmem_shared>> -> memref<128x128xf32, #tpu.memory_space<vmem_shared>>
      tpu.enqueue_dma source(%arg7 : memref<128x128xf32, #tpu.memory_space<vmem>>) target(%dma_start3A_58 : memref<128x128xf32, #tpu.memory_space<vmem_shared>>) target_semaphore(%run_scoped3A : memref<!tpu.dma_semaphore, #tpu.memory_space<semaphore_mem>>)
      %dma_wait3A = arith.constant 0 : i32
      %dma_wait3A_59 = tpu.memref_slice %arg8[%add3A_12, %dma_wait3A] : memref<10240x128xf32, #tpu.memory_space<vmem_shared>> -> memref<128x128xf32, #tpu.memory_space<vmem_shared>>
      %dma_wait3A_60 = arith.constant 0 : i32
      %dma_wait3A_61 = tpu.memref_slice %arg8[%add3A_12, %dma_wait3A_60] : memref<10240x128xf32, #tpu.memory_space<vmem_shared>> -> memref<128x128xf32, #tpu.memory_space<vmem_shared>>
      tpu.wait_dma2 semaphore(%run_scoped3A : memref<!tpu.dma_semaphore, #tpu.memory_space<semaphore_mem>>) src(%arg7 : memref<128x128xf32, #tpu.memory_space<vmem>>) dst(%dma_wait3A_61 : memref<128x128xf32, #tpu.memory_space<vmem_shared>>)
      tpu.yield
    }) : () -> ()
    "tpu.region"() ({
      %run_scoped3A = tpu.sem_alloc : memref<!tpu.dma_semaphore, #tpu.memory_space<semaphore_mem>>
      tpu.enqueue_dma source(%arg4 : memref<128x128xf32, #tpu.memory_space<hbm>>) target(%arg7 : memref<128x128xf32, #tpu.memory_space<vmem>>) target_semaphore(%run_scoped3A : memref<!tpu.dma_semaphore, #tpu.memory_space<semaphore_mem>>)
      tpu.wait_dma2 semaphore(%run_scoped3A : memref<!tpu.dma_semaphore, #tpu.memory_space<semaphore_mem>>) src(%arg4 : memref<128x128xf32, #tpu.memory_space<hbm>>) dst(%arg7 : memref<128x128xf32, #tpu.memory_space<vmem>>)
      tpu.yield
    }) : () -> ()
    %barrier3A = arith.constant 0 : index
    tpu.barrier barrier_id(%barrier3A)
    %mul3A_13 = arith.constant 10240 : i32
    %mul3A_14 = arith.muli %add3A, %mul3A_13 : i32
    %scan3A = arith.constant 0 : i32
    %scan3A_15 = arith.constant 0 : i32
    %scan3A_16 = arith.constant 80 : i32
    %scan3A_17 = arith.addi %scan3A_15, %scan3A_16 : i32
    %scan3A_18 = arith.constant 1 : i32
    scf.for %scan3A_56 = %scan3A_15 to %scan3A_17 step %scan3A_18  : i32 {
      %mul3A_57 = arith.constant 128 : i32
      %mul3A_58 = arith.muli %scan3A_56, %mul3A_57 : i32
      %add3A_59 = arith.addi %mul3A_14, %mul3A_58 : i32
      "tpu.region"() ({
        %run_scoped3A = tpu.sem_alloc : memref<!tpu.dma_semaphore, #tpu.memory_space<semaphore_mem>>
        %dma_start3A = tpu.memref_slice %arg2[%add3A_59] : memref<327680xi32, #tpu.memory_space<hbm>> -> memref<128xi32, #tpu.memory_space<hbm>>
        %dma_start3A_60 = tpu.memref_slice %arg2[%add3A_59] : memref<327680xi32, #tpu.memory_space<hbm>> -> memref<128xi32, #tpu.memory_space<hbm>>
        tpu.enqueue_dma source(%dma_start3A_60 : memref<128xi32, #tpu.memory_space<hbm>>) target(%arg6 : memref<128xi32, #tpu.memory_space<vmem>>) target_semaphore(%run_scoped3A : memref<!tpu.dma_semaphore, #tpu.memory_space<semaphore_mem>>)
        %dma_wait3A = tpu.memref_slice %arg2[%add3A_59] : memref<327680xi32, #tpu.memory_space<hbm>> -> memref<128xi32, #tpu.memory_space<hbm>>
        %dma_wait3A_61 = tpu.memref_slice %arg2[%add3A_59] : memref<327680xi32, #tpu.memory_space<hbm>> -> memref<128xi32, #tpu.memory_space<hbm>>
        tpu.wait_dma2 semaphore(%run_scoped3A : memref<!tpu.dma_semaphore, #tpu.memory_space<semaphore_mem>>) src(%dma_wait3A_61 : memref<128xi32, #tpu.memory_space<hbm>>) dst(%arg6 : memref<128xi32, #tpu.memory_space<vmem>>)
        tpu.yield
      }) : () -> ()
      "tpu.region"() ({
        %run_scoped3A = tpu.sem_alloc : memref<!tpu.dma_semaphore, #tpu.memory_space<semaphore_mem>>
        %dma_start3A = arith.constant 0 : i32
        %dma_start3A_60 = arith.constant 0 : i32
        %dma_start3A_61 = tpu.memref_slice %arg8[%dma_start3A, %dma_start3A_60] : memref<10240x128xf32, #tpu.memory_space<vmem_shared>> -> memref<10240x128xf32, #tpu.memory_space<vmem_shared>>
        tpu.enqueue_indirect_dma source(%arg7 : memref<128x128xf32, #tpu.memory_space<vmem>>) target(%dma_start3A_61 : memref<10240x128xf32, #tpu.memory_space<vmem_shared>>) offsets(%arg6 : memref<128xi32, #tpu.memory_space<vmem>>) semaphore(%run_scoped3A : memref<!tpu.dma_semaphore, #tpu.memory_space<semaphore_mem>>) {add = true}
        %dma_wait3A = arith.constant 0 : i32
        %dma_wait3A_62 = arith.constant 0 : i32
        %dma_wait3A_63 = tpu.memref_slice %arg8[%dma_wait3A, %dma_wait3A_62] : memref<10240x128xf32, #tpu.memory_space<vmem_shared>> -> memref<10240x128xf32, #tpu.memory_space<vmem_shared>>
        tpu.wait_indirect_dma semaphore(%run_scoped3A : memref<!tpu.dma_semaphore, #tpu.memory_space<semaphore_mem>>) src(%arg7 : memref<128x128xf32, #tpu.memory_space<vmem>>) dst(%dma_wait3A_63 : memref<10240x128xf32, #tpu.memory_space<vmem_shared>>)
        tpu.yield
      }) : () -> ()
    }
    %scan3A_19 = arith.constant 80 : i32
    %barrier3A_20 = arith.constant 0 : index
    tpu.barrier barrier_id(%barrier3A_20)
    %add3A_21 = arith.constant 0 : i32
    %add3A_22 = arith.addi %mul3A_2, %add3A_21 : i32
    "tpu.region"() ({
      %run_scoped3A = tpu.sem_alloc : memref<!tpu.dma_semaphore, #tpu.memory_space<semaphore_mem>>
      %dma_start3A = arith.constant 0 : i32
      %dma_start3A_56 = tpu.memref_slice %arg8[%add3A_22, %dma_start3A] : memref<10240x128xf32, #tpu.memory_space<vmem_shared>> -> memref<128x128xf32, #tpu.memory_space<vmem_shared>>
      %dma_start3A_57 = arith.constant 0 : i32
      %dma_start3A_58 = tpu.memref_slice %arg8[%add3A_22, %dma_start3A_57] : memref<10240x128xf32, #tpu.memory_space<vmem_shared>> -> memref<128x128xf32, #tpu.memory_space<vmem_shared>>
      tpu.enqueue_dma source(%dma_start3A_58 : memref<128x128xf32, #tpu.memory_space<vmem_shared>>) target(%arg7 : memref<128x128xf32, #tpu.memory_space<vmem>>) target_semaphore(%run_scoped3A : memref<!tpu.dma_semaphore, #tpu.memory_space<semaphore_mem>>)
      %dma_wait3A = arith.constant 0 : i32
      %dma_wait3A_59 = tpu.memref_slice %arg8[%add3A_22, %dma_wait3A] : memref<10240x128xf32, #tpu.memory_space<vmem_shared>> -> memref<128x128xf32, #tpu.memory_space<vmem_shared>>
      %dma_wait3A_60 = arith.constant 0 : i32
      %dma_wait3A_61 = tpu.memref_slice %arg8[%add3A_22, %dma_wait3A_60] : memref<10240x128xf32, #tpu.memory_space<vmem_shared>> -> memref<128x128xf32, #tpu.memory_space<vmem_shared>>
      tpu.wait_dma2 semaphore(%run_scoped3A : memref<!tpu.dma_semaphore, #tpu.memory_space<semaphore_mem>>) src(%dma_wait3A_61 : memref<128x128xf32, #tpu.memory_space<vmem_shared>>) dst(%arg7 : memref<128x128xf32, #tpu.memory_space<vmem>>)
      tpu.yield
    }) : () -> ()
    %mul3A_23 = arith.constant 10240 : i32
    %mul3A_24 = arith.muli %arg0, %mul3A_23 : i32
    %add3A_25 = arith.addi %mul3A_24, %mul3A_2 : i32
    %add3A_26 = arith.constant 0 : i32
    %add3A_27 = arith.addi %add3A_25, %add3A_26 : i32
    "tpu.region"() ({
      %run_scoped3A = tpu.sem_alloc : memref<!tpu.dma_semaphore, #tpu.memory_space<semaphore_mem>>
      %dma_start3A = arith.constant 0 : i32
      %dma_start3A_56 = tpu.memref_slice %arg5[%add3A_27, %dma_start3A] : memref<20480x128xf32, #tpu.memory_space<hbm>> -> memref<128x128xf32, #tpu.memory_space<hbm>>
      %dma_start3A_57 = arith.constant 0 : i32
      %dma_start3A_58 = tpu.memref_slice %arg5[%add3A_27, %dma_start3A_57] : memref<20480x128xf32, #tpu.memory_space<hbm>> -> memref<128x128xf32, #tpu.memory_space<hbm>>
      tpu.enqueue_dma source(%arg7 : memref<128x128xf32, #tpu.memory_space<vmem>>) target(%dma_start3A_58 : memref<128x128xf32, #tpu.memory_space<hbm>>) target_semaphore(%run_scoped3A : memref<!tpu.dma_semaphore, #tpu.memory_space<semaphore_mem>>)
      %dma_wait3A = arith.constant 0 : i32
      %dma_wait3A_59 = tpu.memref_slice %arg5[%add3A_27, %dma_wait3A] : memref<20480x128xf32, #tpu.memory_space<hbm>> -> memref<128x128xf32, #tpu.memory_space<hbm>>
      %dma_wait3A_60 = arith.constant 0 : i32
      %dma_wait3A_61 = tpu.memref_slice %arg5[%add3A_27, %dma_wait3A_60] : memref<20480x128xf32, #tpu.memory_space<hbm>> -> memref<128x128xf32, #tpu.memory_space<hbm>>
      tpu.wait_dma2 semaphore(%run_scoped3A : memref<!tpu.dma_semaphore, #tpu.memory_space<semaphore_mem>>) src(%arg7 : memref<128x128xf32, #tpu.memory_space<vmem>>) dst(%dma_wait3A_61 : memref<128x128xf32, #tpu.memory_space<hbm>>)
      tpu.yield
    }) : () -> ()
    %add3A_28 = arith.constant 128 : i32
    %add3A_29 = arith.addi %mul3A_2, %add3A_28 : i32
    "tpu.region"() ({
      %run_scoped3A = tpu.sem_alloc : memref<!tpu.dma_semaphore, #tpu.memory_space<semaphore_mem>>
      %dma_start3A = arith.constant 0 : i32
      %dma_start3A_56 = tpu.memref_slice %arg8[%add3A_29, %dma_start3A] : memref<10240x128xf32, #tpu.memory_space<vmem_shared>> -> memref<128x128xf32, #tpu.memory_space<vmem_shared>>
      %dma_start3A_57 = arith.constant 0 : i32
      %dma_start3A_58 = tpu.memref_slice %arg8[%add3A_29, %dma_start3A_57] : memref<10240x128xf32, #tpu.memory_space<vmem_shared>> -> memref<128x128xf32, #tpu.memory_space<vmem_shared>>
      tpu.enqueue_dma source(%dma_start3A_58 : memref<128x128xf32, #tpu.memory_space<vmem_shared>>) target(%arg7 : memref<128x128xf32, #tpu.memory_space<vmem>>) target_semaphore(%run_scoped3A : memref<!tpu.dma_semaphore, #tpu.memory_space<semaphore_mem>>)
      %dma_wait3A = arith.constant 0 : i32
      %dma_wait3A_59 = tpu.memref_slice %arg8[%add3A_29, %dma_wait3A] : memref<10240x128xf32, #tpu.memory_space<vmem_shared>> -> memref<128x128xf32, #tpu.memory_space<vmem_shared>>
      %dma_wait3A_60 = arith.constant 0 : i32
      %dma_wait3A_61 = tpu.memref_slice %arg8[%add3A_29, %dma_wait3A_60] : memref<10240x128xf32, #tpu.memory_space<vmem_shared>> -> memref<128x128xf32, #tpu.memory_space<vmem_shared>>
      tpu.wait_dma2 semaphore(%run_scoped3A : memref<!tpu.dma_semaphore, #tpu.memory_space<semaphore_mem>>) src(%dma_wait3A_61 : memref<128x128xf32, #tpu.memory_space<vmem_shared>>) dst(%arg7 : memref<128x128xf32, #tpu.memory_space<vmem>>)
      tpu.yield
    }) : () -> ()
    %mul3A_30 = arith.constant 10240 : i32
    %mul3A_31 = arith.muli %arg0, %mul3A_30 : i32
    %add3A_32 = arith.addi %mul3A_31, %mul3A_2 : i32
    %add3A_33 = arith.constant 128 : i32
    %add3A_34 = arith.addi %add3A_32, %add3A_33 : i32
    "tpu.region"() ({
      %run_scoped3A = tpu.sem_alloc : memref<!tpu.dma_semaphore, #tpu.memory_space<semaphore_mem>>
      %dma_start3A = arith.constant 0 : i32
      %dma_start3A_56 = tpu.memref_slice %arg5[%add3A_34, %dma_start3A] : memref<20480x128xf32, #tpu.memory_space<hbm>> -> memref<128x128xf32, #tpu.memory_space<hbm>>
      %dma_start3A_57 = arith.constant 0 : i32
      %dma_start3A_58 = tpu.memref_slice %arg5[%add3A_34, %dma_start3A_57] : memref<20480x128xf32, #tpu.memory_space<hbm>> -> memref<128x128xf32, #tpu.memory_space<hbm>>
      tpu.enqueue_dma source(%arg7 : memref<128x128xf32, #tpu.memory_space<vmem>>) target(%dma_start3A_58 : memref<128x128xf32, #tpu.memory_space<hbm>>) target_semaphore(%run_scoped3A : memref<!tpu.dma_semaphore, #tpu.memory_space<semaphore_mem>>)
      %dma_wait3A = arith.constant 0 : i32
      %dma_wait3A_59 = tpu.memref_slice %arg5[%add3A_34, %dma_wait3A] : memref<20480x128xf32, #tpu.memory_space<hbm>> -> memref<128x128xf32, #tpu.memory_space<hbm>>
      %dma_wait3A_60 = arith.constant 0 : i32
      %dma_wait3A_61 = tpu.memref_slice %arg5[%add3A_34, %dma_wait3A_60] : memref<20480x128xf32, #tpu.memory_space<hbm>> -> memref<128x128xf32, #tpu.memory_space<hbm>>
      tpu.wait_dma2 semaphore(%run_scoped3A : memref<!tpu.dma_semaphore, #tpu.memory_space<semaphore_mem>>) src(%arg7 : memref<128x128xf32, #tpu.memory_space<vmem>>) dst(%dma_wait3A_61 : memref<128x128xf32, #tpu.memory_space<hbm>>)
      tpu.yield
    }) : () -> ()
    %add3A_35 = arith.constant 256 : i32
    %add3A_36 = arith.addi %mul3A_2, %add3A_35 : i32
    "tpu.region"() ({
      %run_scoped3A = tpu.sem_alloc : memref<!tpu.dma_semaphore, #tpu.memory_space<semaphore_mem>>
      %dma_start3A = arith.constant 0 : i32
      %dma_start3A_56 = tpu.memref_slice %arg8[%add3A_36, %dma_start3A] : memref<10240x128xf32, #tpu.memory_space<vmem_shared>> -> memref<128x128xf32, #tpu.memory_space<vmem_shared>>
      %dma_start3A_57 = arith.constant 0 : i32
      %dma_start3A_58 = tpu.memref_slice %arg8[%add3A_36, %dma_start3A_57] : memref<10240x128xf32, #tpu.memory_space<vmem_shared>> -> memref<128x128xf32, #tpu.memory_space<vmem_shared>>
      tpu.enqueue_dma source(%dma_start3A_58 : memref<128x128xf32, #tpu.memory_space<vmem_shared>>) target(%arg7 : memref<128x128xf32, #tpu.memory_space<vmem>>) target_semaphore(%run_scoped3A : memref<!tpu.dma_semaphore, #tpu.memory_space<semaphore_mem>>)
      %dma_wait3A = arith.constant 0 : i32
      %dma_wait3A_59 = tpu.memref_slice %arg8[%add3A_36, %dma_wait3A] : memref<10240x128xf32, #tpu.memory_space<vmem_shared>> -> memref<128x128xf32, #tpu.memory_space<vmem_shared>>
      %dma_wait3A_60 = arith.constant 0 : i32
      %dma_wait3A_61 = tpu.memref_slice %arg8[%add3A_36, %dma_wait3A_60] : memref<10240x128xf32, #tpu.memory_space<vmem_shared>> -> memref<128x128xf32, #tpu.memory_space<vmem_shared>>
      tpu.wait_dma2 semaphore(%run_scoped3A : memref<!tpu.dma_semaphore, #tpu.memory_space<semaphore_mem>>) src(%dma_wait3A_61 : memref<128x128xf32, #tpu.memory_space<vmem_shared>>) dst(%arg7 : memref<128x128xf32, #tpu.memory_space<vmem>>)
      tpu.yield
    }) : () -> ()
    %mul3A_37 = arith.constant 10240 : i32
    %mul3A_38 = arith.muli %arg0, %mul3A_37 : i32
    %add3A_39 = arith.addi %mul3A_38, %mul3A_2 : i32
    %add3A_40 = arith.constant 256 : i32
    %add3A_41 = arith.addi %add3A_39, %add3A_40 : i32
    "tpu.region"() ({
      %run_scoped3A = tpu.sem_alloc : memref<!tpu.dma_semaphore, #tpu.memory_space<semaphore_mem>>
      %dma_start3A = arith.constant 0 : i32
      %dma_start3A_56 = tpu.memref_slice %arg5[%add3A_41, %dma_start3A] : memref<20480x128xf32, #tpu.memory_space<hbm>> -> memref<128x128xf32, #tpu.memory_space<hbm>>
      %dma_start3A_57 = arith.constant 0 : i32
      %dma_start3A_58 = tpu.memref_slice %arg5[%add3A_41, %dma_start3A_57] : memref<20480x128xf32, #tpu.memory_space<hbm>> -> memref<128x128xf32, #tpu.memory_space<hbm>>
      tpu.enqueue_dma source(%arg7 : memref<128x128xf32, #tpu.memory_space<vmem>>) target(%dma_start3A_58 : memref<128x128xf32, #tpu.memory_space<hbm>>) target_semaphore(%run_scoped3A : memref<!tpu.dma_semaphore, #tpu.memory_space<semaphore_mem>>)
      %dma_wait3A = arith.constant 0 : i32
      %dma_wait3A_59 = tpu.memref_slice %arg5[%add3A_41, %dma_wait3A] : memref<20480x128xf32, #tpu.memory_space<hbm>> -> memref<128x128xf32, #tpu.memory_space<hbm>>
      %dma_wait3A_60 = arith.constant 0 : i32
      %dma_wait3A_61 = tpu.memref_slice %arg5[%add3A_41, %dma_wait3A_60] : memref<20480x128xf32, #tpu.memory_space<hbm>> -> memref<128x128xf32, #tpu.memory_space<hbm>>
      tpu.wait_dma2 semaphore(%run_scoped3A : memref<!tpu.dma_semaphore, #tpu.memory_space<semaphore_mem>>) src(%arg7 : memref<128x128xf32, #tpu.memory_space<vmem>>) dst(%dma_wait3A_61 : memref<128x128xf32, #tpu.memory_space<hbm>>)
      tpu.yield
    }) : () -> ()
    %add3A_42 = arith.constant 384 : i32
    %add3A_43 = arith.addi %mul3A_2, %add3A_42 : i32
    "tpu.region"() ({
      %run_scoped3A = tpu.sem_alloc : memref<!tpu.dma_semaphore, #tpu.memory_space<semaphore_mem>>
      %dma_start3A = arith.constant 0 : i32
      %dma_start3A_56 = tpu.memref_slice %arg8[%add3A_43, %dma_start3A] : memref<10240x128xf32, #tpu.memory_space<vmem_shared>> -> memref<128x128xf32, #tpu.memory_space<vmem_shared>>
      %dma_start3A_57 = arith.constant 0 : i32
      %dma_start3A_58 = tpu.memref_slice %arg8[%add3A_43, %dma_start3A_57] : memref<10240x128xf32, #tpu.memory_space<vmem_shared>> -> memref<128x128xf32, #tpu.memory_space<vmem_shared>>
      tpu.enqueue_dma source(%dma_start3A_58 : memref<128x128xf32, #tpu.memory_space<vmem_shared>>) target(%arg7 : memref<128x128xf32, #tpu.memory_space<vmem>>) target_semaphore(%run_scoped3A : memref<!tpu.dma_semaphore, #tpu.memory_space<semaphore_mem>>)
      %dma_wait3A = arith.constant 0 : i32
      %dma_wait3A_59 = tpu.memref_slice %arg8[%add3A_43, %dma_wait3A] : memref<10240x128xf32, #tpu.memory_space<vmem_shared>> -> memref<128x128xf32, #tpu.memory_space<vmem_shared>>
      %dma_wait3A_60 = arith.constant 0 : i32
      %dma_wait3A_61 = tpu.memref_slice %arg8[%add3A_43, %dma_wait3A_60] : memref<10240x128xf32, #tpu.memory_space<vmem_shared>> -> memref<128x128xf32, #tpu.memory_space<vmem_shared>>
      tpu.wait_dma2 semaphore(%run_scoped3A : memref<!tpu.dma_semaphore, #tpu.memory_space<semaphore_mem>>) src(%dma_wait3A_61 : memref<128x128xf32, #tpu.memory_space<vmem_shared>>) dst(%arg7 : memref<128x128xf32, #tpu.memory_space<vmem>>)
      tpu.yield
    }) : () -> ()
    %mul3A_44 = arith.constant 10240 : i32
    %mul3A_45 = arith.muli %arg0, %mul3A_44 : i32
    %add3A_46 = arith.addi %mul3A_45, %mul3A_2 : i32
    %add3A_47 = arith.constant 384 : i32
    %add3A_48 = arith.addi %add3A_46, %add3A_47 : i32
    "tpu.region"() ({
      %run_scoped3A = tpu.sem_alloc : memref<!tpu.dma_semaphore, #tpu.memory_space<semaphore_mem>>
      %dma_start3A = arith.constant 0 : i32
      %dma_start3A_56 = tpu.memref_slice %arg5[%add3A_48, %dma_start3A] : memref<20480x128xf32, #tpu.memory_space<hbm>> -> memref<128x128xf32, #tpu.memory_space<hbm>>
      %dma_start3A_57 = arith.constant 0 : i32
      %dma_start3A_58 = tpu.memref_slice %arg5[%add3A_48, %dma_start3A_57] : memref<20480x128xf32, #tpu.memory_space<hbm>> -> memref<128x128xf32, #tpu.memory_space<hbm>>
      tpu.enqueue_dma source(%arg7 : memref<128x128xf32, #tpu.memory_space<vmem>>) target(%dma_start3A_58 : memref<128x128xf32, #tpu.memory_space<hbm>>) target_semaphore(%run_scoped3A : memref<!tpu.dma_semaphore, #tpu.memory_space<semaphore_mem>>)
      %dma_wait3A = arith.constant 0 : i32
      %dma_wait3A_59 = tpu.memref_slice %arg5[%add3A_48, %dma_wait3A] : memref<20480x128xf32, #tpu.memory_space<hbm>> -> memref<128x128xf32, #tpu.memory_space<hbm>>
      %dma_wait3A_60 = arith.constant 0 : i32
      %dma_wait3A_61 = tpu.memref_slice %arg5[%add3A_48, %dma_wait3A_60] : memref<20480x128xf32, #tpu.memory_space<hbm>> -> memref<128x128xf32, #tpu.memory_space<hbm>>
      tpu.wait_dma2 semaphore(%run_scoped3A : memref<!tpu.dma_semaphore, #tpu.memory_space<semaphore_mem>>) src(%arg7 : memref<128x128xf32, #tpu.memory_space<vmem>>) dst(%dma_wait3A_61 : memref<128x128xf32, #tpu.memory_space<hbm>>)
      tpu.yield
    }) : () -> ()
    %add3A_49 = arith.constant 512 : i32
    %add3A_50 = arith.addi %mul3A_2, %add3A_49 : i32
    "tpu.region"() ({
      %run_scoped3A = tpu.sem_alloc : memref<!tpu.dma_semaphore, #tpu.memory_space<semaphore_mem>>
      %dma_start3A = arith.constant 0 : i32
      %dma_start3A_56 = tpu.memref_slice %arg8[%add3A_50, %dma_start3A] : memref<10240x128xf32, #tpu.memory_space<vmem_shared>> -> memref<128x128xf32, #tpu.memory_space<vmem_shared>>
      %dma_start3A_57 = arith.constant 0 : i32
      %dma_start3A_58 = tpu.memref_slice %arg8[%add3A_50, %dma_start3A_57] : memref<10240x128xf32, #tpu.memory_space<vmem_shared>> -> memref<128x128xf32, #tpu.memory_space<vmem_shared>>
      tpu.enqueue_dma source(%dma_start3A_58 : memref<128x128xf32, #tpu.memory_space<vmem_shared>>) target(%arg7 : memref<128x128xf32, #tpu.memory_space<vmem>>) target_semaphore(%run_scoped3A : memref<!tpu.dma_semaphore, #tpu.memory_space<semaphore_mem>>)
      %dma_wait3A = arith.constant 0 : i32
      %dma_wait3A_59 = tpu.memref_slice %arg8[%add3A_50, %dma_wait3A] : memref<10240x128xf32, #tpu.memory_space<vmem_shared>> -> memref<128x128xf32, #tpu.memory_space<vmem_shared>>
      %dma_wait3A_60 = arith.constant 0 : i32
      %dma_wait3A_61 = tpu.memref_slice %arg8[%add3A_50, %dma_wait3A_60] : memref<10240x128xf32, #tpu.memory_space<vmem_shared>> -> memref<128x128xf32, #tpu.memory_space<vmem_shared>>
      tpu.wait_dma2 semaphore(%run_scoped3A : memref<!tpu.dma_semaphore, #tpu.memory_space<semaphore_mem>>) src(%dma_wait3A_61 : memref<128x128xf32, #tpu.memory_space<vmem_shared>>) dst(%arg7 : memref<128x128xf32, #tpu.memory_space<vmem>>)
      tpu.yield
    }) : () -> ()
    %mul3A_51 = arith.constant 10240 : i32
    %mul3A_52 = arith.muli %arg0, %mul3A_51 : i32
    %add3A_53 = arith.addi %mul3A_52, %mul3A_2 : i32
    %add3A_54 = arith.constant 512 : i32
    %add3A_55 = arith.addi %add3A_53, %add3A_54 : i32
    "tpu.region"() ({
      %run_scoped3A = tpu.sem_alloc : memref<!tpu.dma_semaphore, #tpu.memory_space<semaphore_mem>>
      %dma_start3A = arith.constant 0 : i32
      %dma_start3A_56 = tpu.memref_slice %arg5[%add3A_55, %dma_start3A] : memref<20480x128xf32, #tpu.memory_space<hbm>> -> memref<128x128xf32, #tpu.memory_space<hbm>>
      %dma_start3A_57 = arith.constant 0 : i32
      %dma_start3A_58 = tpu.memref_slice %arg5[%add3A_55, %dma_start3A_57] : memref<20480x128xf32, #tpu.memory_space<hbm>> -> memref<128x128xf32, #tpu.memory_space<hbm>>
      tpu.enqueue_dma source(%arg7 : memref<128x128xf32, #tpu.memory_space<vmem>>) target(%dma_start3A_58 : memref<128x128xf32, #tpu.memory_space<hbm>>) target_semaphore(%run_scoped3A : memref<!tpu.dma_semaphore, #tpu.memory_space<semaphore_mem>>)
      %dma_wait3A = arith.constant 0 : i32
      %dma_wait3A_59 = tpu.memref_slice %arg5[%add3A_55, %dma_wait3A] : memref<20480x128xf32, #tpu.memory_space<hbm>> -> memref<128x128xf32, #tpu.memory_space<hbm>>
      %dma_wait3A_60 = arith.constant 0 : i32
      %dma_wait3A_61 = tpu.memref_slice %arg5[%add3A_55, %dma_wait3A_60] : memref<20480x128xf32, #tpu.memory_space<hbm>> -> memref<128x128xf32, #tpu.memory_space<hbm>>
      tpu.wait_dma2 semaphore(%run_scoped3A : memref<!tpu.dma_semaphore, #tpu.memory_space<semaphore_mem>>) src(%arg7 : memref<128x128xf32, #tpu.memory_space<vmem>>) dst(%dma_wait3A_61 : memref<128x128xf32, #tpu.memory_space<hbm>>)
      tpu.yield
    }) : () -> ()
    return
  }
}

#map = affine_map<(d0, d1) -> (0, 0)>
#map1 = affine_map<(d0, d1) -> (0)>
module attributes {stable_mosaic.version = 14 : i64} {
  func.func @_sc_agg_body(%arg0: i32, %arg1: i32, %arg2: memref<10240x128xf32, #tpu.memory_space<hbm>>, %arg3: memref<327680xi32, #tpu.memory_space<hbm>>, %arg4: memref<327680xi32, #tpu.memory_space<hbm>>, %arg5: memref<128x128xf32, #tpu.memory_space<hbm>>, %arg6: memref<20480x128xf32, #tpu.memory_space<hbm>>, %arg7: memref<128xi32, #tpu.memory_space<vmem>>, %arg8: memref<128xi32, #tpu.memory_space<vmem>>, %arg9: memref<128x128xf32, #tpu.memory_space<vmem>>, %arg10: memref<10240x128xf32, #tpu.memory_space<vmem_shared>>, %arg11: memref<!tpu.dma_semaphore, #tpu.memory_space<semaphore_mem>>) attributes {dimension_semantics = [#tpu.dimension_semantics<core_parallel>, #tpu.dimension_semantics<subcore_parallel>], iteration_bounds = array<i64: 2, 16>, scalar_prefetch = 0 : i64, scratch_operands = 5 : i64, tpu.core_type = #tpu.core_type<sc_vector_subcore>, window_params = [{transform_indices = #map}, {transform_indices = #map1}, {transform_indices = #map1}, {transform_indices = #map}, {transform_indices = #map}]} {
    %mul3A = arith.constant 2 : i32
    %mul3A_0 = arith.muli %arg1, %mul3A : i32
    %add3A = arith.addi %mul3A_0, %arg0 : i32
    %mul3A_1 = arith.constant 640 : i32
    %mul3A_2 = arith.muli %arg1, %mul3A_1 : i32
    "tpu.region"() ({
      %run_scoped3A = tpu.sem_alloc : memref<!tpu.dma_semaphore, #tpu.memory_space<semaphore_mem>>
      tpu.enqueue_dma source(%arg5 : memref<128x128xf32, #tpu.memory_space<hbm>>) target(%arg9 : memref<128x128xf32, #tpu.memory_space<vmem>>) target_semaphore(%run_scoped3A : memref<!tpu.dma_semaphore, #tpu.memory_space<semaphore_mem>>)
      tpu.wait_dma2 semaphore(%run_scoped3A : memref<!tpu.dma_semaphore, #tpu.memory_space<semaphore_mem>>) src(%arg5 : memref<128x128xf32, #tpu.memory_space<hbm>>) dst(%arg9 : memref<128x128xf32, #tpu.memory_space<vmem>>)
      tpu.yield
    }) : () -> ()
    %add3A_3 = arith.constant 0 : i32
    %add3A_4 = arith.addi %mul3A_2, %add3A_3 : i32
    "tpu.region"() ({
      %run_scoped3A = tpu.sem_alloc : memref<!tpu.dma_semaphore, #tpu.memory_space<semaphore_mem>>
      %dma_start3A = arith.constant 0 : i32
      %dma_start3A_56 = tpu.memref_slice %arg10[%add3A_4, %dma_start3A] : memref<10240x128xf32, #tpu.memory_space<vmem_shared>> -> memref<128x128xf32, #tpu.memory_space<vmem_shared>>
      %dma_start3A_57 = arith.constant 0 : i32
      %dma_start3A_58 = tpu.memref_slice %arg10[%add3A_4, %dma_start3A_57] : memref<10240x128xf32, #tpu.memory_space<vmem_shared>> -> memref<128x128xf32, #tpu.memory_space<vmem_shared>>
      tpu.enqueue_dma source(%arg9 : memref<128x128xf32, #tpu.memory_space<vmem>>) target(%dma_start3A_58 : memref<128x128xf32, #tpu.memory_space<vmem_shared>>) target_semaphore(%run_scoped3A : memref<!tpu.dma_semaphore, #tpu.memory_space<semaphore_mem>>)
      %dma_wait3A = arith.constant 0 : i32
      %dma_wait3A_59 = tpu.memref_slice %arg10[%add3A_4, %dma_wait3A] : memref<10240x128xf32, #tpu.memory_space<vmem_shared>> -> memref<128x128xf32, #tpu.memory_space<vmem_shared>>
      %dma_wait3A_60 = arith.constant 0 : i32
      %dma_wait3A_61 = tpu.memref_slice %arg10[%add3A_4, %dma_wait3A_60] : memref<10240x128xf32, #tpu.memory_space<vmem_shared>> -> memref<128x128xf32, #tpu.memory_space<vmem_shared>>
      tpu.wait_dma2 semaphore(%run_scoped3A : memref<!tpu.dma_semaphore, #tpu.memory_space<semaphore_mem>>) src(%arg9 : memref<128x128xf32, #tpu.memory_space<vmem>>) dst(%dma_wait3A_61 : memref<128x128xf32, #tpu.memory_space<vmem_shared>>)
      tpu.yield
    }) : () -> ()
    %add3A_5 = arith.constant 128 : i32
    %add3A_6 = arith.addi %mul3A_2, %add3A_5 : i32
    "tpu.region"() ({
      %run_scoped3A = tpu.sem_alloc : memref<!tpu.dma_semaphore, #tpu.memory_space<semaphore_mem>>
      %dma_start3A = arith.constant 0 : i32
      %dma_start3A_56 = tpu.memref_slice %arg10[%add3A_6, %dma_start3A] : memref<10240x128xf32, #tpu.memory_space<vmem_shared>> -> memref<128x128xf32, #tpu.memory_space<vmem_shared>>
      %dma_start3A_57 = arith.constant 0 : i32
      %dma_start3A_58 = tpu.memref_slice %arg10[%add3A_6, %dma_start3A_57] : memref<10240x128xf32, #tpu.memory_space<vmem_shared>> -> memref<128x128xf32, #tpu.memory_space<vmem_shared>>
      tpu.enqueue_dma source(%arg9 : memref<128x128xf32, #tpu.memory_space<vmem>>) target(%dma_start3A_58 : memref<128x128xf32, #tpu.memory_space<vmem_shared>>) target_semaphore(%run_scoped3A : memref<!tpu.dma_semaphore, #tpu.memory_space<semaphore_mem>>)
      %dma_wait3A = arith.constant 0 : i32
      %dma_wait3A_59 = tpu.memref_slice %arg10[%add3A_6, %dma_wait3A] : memref<10240x128xf32, #tpu.memory_space<vmem_shared>> -> memref<128x128xf32, #tpu.memory_space<vmem_shared>>
      %dma_wait3A_60 = arith.constant 0 : i32
      %dma_wait3A_61 = tpu.memref_slice %arg10[%add3A_6, %dma_wait3A_60] : memref<10240x128xf32, #tpu.memory_space<vmem_shared>> -> memref<128x128xf32, #tpu.memory_space<vmem_shared>>
      tpu.wait_dma2 semaphore(%run_scoped3A : memref<!tpu.dma_semaphore, #tpu.memory_space<semaphore_mem>>) src(%arg9 : memref<128x128xf32, #tpu.memory_space<vmem>>) dst(%dma_wait3A_61 : memref<128x128xf32, #tpu.memory_space<vmem_shared>>)
      tpu.yield
    }) : () -> ()
    %add3A_7 = arith.constant 256 : i32
    %add3A_8 = arith.addi %mul3A_2, %add3A_7 : i32
    "tpu.region"() ({
      %run_scoped3A = tpu.sem_alloc : memref<!tpu.dma_semaphore, #tpu.memory_space<semaphore_mem>>
      %dma_start3A = arith.constant 0 : i32
      %dma_start3A_56 = tpu.memref_slice %arg10[%add3A_8, %dma_start3A] : memref<10240x128xf32, #tpu.memory_space<vmem_shared>> -> memref<128x128xf32, #tpu.memory_space<vmem_shared>>
      %dma_start3A_57 = arith.constant 0 : i32
      %dma_start3A_58 = tpu.memref_slice %arg10[%add3A_8, %dma_start3A_57] : memref<10240x128xf32, #tpu.memory_space<vmem_shared>> -> memref<128x128xf32, #tpu.memory_space<vmem_shared>>
      tpu.enqueue_dma source(%arg9 : memref<128x128xf32, #tpu.memory_space<vmem>>) target(%dma_start3A_58 : memref<128x128xf32, #tpu.memory_space<vmem_shared>>) target_semaphore(%run_scoped3A : memref<!tpu.dma_semaphore, #tpu.memory_space<semaphore_mem>>)
      %dma_wait3A = arith.constant 0 : i32
      %dma_wait3A_59 = tpu.memref_slice %arg10[%add3A_8, %dma_wait3A] : memref<10240x128xf32, #tpu.memory_space<vmem_shared>> -> memref<128x128xf32, #tpu.memory_space<vmem_shared>>
      %dma_wait3A_60 = arith.constant 0 : i32
      %dma_wait3A_61 = tpu.memref_slice %arg10[%add3A_8, %dma_wait3A_60] : memref<10240x128xf32, #tpu.memory_space<vmem_shared>> -> memref<128x128xf32, #tpu.memory_space<vmem_shared>>
      tpu.wait_dma2 semaphore(%run_scoped3A : memref<!tpu.dma_semaphore, #tpu.memory_space<semaphore_mem>>) src(%arg9 : memref<128x128xf32, #tpu.memory_space<vmem>>) dst(%dma_wait3A_61 : memref<128x128xf32, #tpu.memory_space<vmem_shared>>)
      tpu.yield
    }) : () -> ()
    %add3A_9 = arith.constant 384 : i32
    %add3A_10 = arith.addi %mul3A_2, %add3A_9 : i32
    "tpu.region"() ({
      %run_scoped3A = tpu.sem_alloc : memref<!tpu.dma_semaphore, #tpu.memory_space<semaphore_mem>>
      %dma_start3A = arith.constant 0 : i32
      %dma_start3A_56 = tpu.memref_slice %arg10[%add3A_10, %dma_start3A] : memref<10240x128xf32, #tpu.memory_space<vmem_shared>> -> memref<128x128xf32, #tpu.memory_space<vmem_shared>>
      %dma_start3A_57 = arith.constant 0 : i32
      %dma_start3A_58 = tpu.memref_slice %arg10[%add3A_10, %dma_start3A_57] : memref<10240x128xf32, #tpu.memory_space<vmem_shared>> -> memref<128x128xf32, #tpu.memory_space<vmem_shared>>
      tpu.enqueue_dma source(%arg9 : memref<128x128xf32, #tpu.memory_space<vmem>>) target(%dma_start3A_58 : memref<128x128xf32, #tpu.memory_space<vmem_shared>>) target_semaphore(%run_scoped3A : memref<!tpu.dma_semaphore, #tpu.memory_space<semaphore_mem>>)
      %dma_wait3A = arith.constant 0 : i32
      %dma_wait3A_59 = tpu.memref_slice %arg10[%add3A_10, %dma_wait3A] : memref<10240x128xf32, #tpu.memory_space<vmem_shared>> -> memref<128x128xf32, #tpu.memory_space<vmem_shared>>
      %dma_wait3A_60 = arith.constant 0 : i32
      %dma_wait3A_61 = tpu.memref_slice %arg10[%add3A_10, %dma_wait3A_60] : memref<10240x128xf32, #tpu.memory_space<vmem_shared>> -> memref<128x128xf32, #tpu.memory_space<vmem_shared>>
      tpu.wait_dma2 semaphore(%run_scoped3A : memref<!tpu.dma_semaphore, #tpu.memory_space<semaphore_mem>>) src(%arg9 : memref<128x128xf32, #tpu.memory_space<vmem>>) dst(%dma_wait3A_61 : memref<128x128xf32, #tpu.memory_space<vmem_shared>>)
      tpu.yield
    }) : () -> ()
    %add3A_11 = arith.constant 512 : i32
    %add3A_12 = arith.addi %mul3A_2, %add3A_11 : i32
    "tpu.region"() ({
      %run_scoped3A = tpu.sem_alloc : memref<!tpu.dma_semaphore, #tpu.memory_space<semaphore_mem>>
      %dma_start3A = arith.constant 0 : i32
      %dma_start3A_56 = tpu.memref_slice %arg10[%add3A_12, %dma_start3A] : memref<10240x128xf32, #tpu.memory_space<vmem_shared>> -> memref<128x128xf32, #tpu.memory_space<vmem_shared>>
      %dma_start3A_57 = arith.constant 0 : i32
      %dma_start3A_58 = tpu.memref_slice %arg10[%add3A_12, %dma_start3A_57] : memref<10240x128xf32, #tpu.memory_space<vmem_shared>> -> memref<128x128xf32, #tpu.memory_space<vmem_shared>>
      tpu.enqueue_dma source(%arg9 : memref<128x128xf32, #tpu.memory_space<vmem>>) target(%dma_start3A_58 : memref<128x128xf32, #tpu.memory_space<vmem_shared>>) target_semaphore(%run_scoped3A : memref<!tpu.dma_semaphore, #tpu.memory_space<semaphore_mem>>)
      %dma_wait3A = arith.constant 0 : i32
      %dma_wait3A_59 = tpu.memref_slice %arg10[%add3A_12, %dma_wait3A] : memref<10240x128xf32, #tpu.memory_space<vmem_shared>> -> memref<128x128xf32, #tpu.memory_space<vmem_shared>>
      %dma_wait3A_60 = arith.constant 0 : i32
      %dma_wait3A_61 = tpu.memref_slice %arg10[%add3A_12, %dma_wait3A_60] : memref<10240x128xf32, #tpu.memory_space<vmem_shared>> -> memref<128x128xf32, #tpu.memory_space<vmem_shared>>
      tpu.wait_dma2 semaphore(%run_scoped3A : memref<!tpu.dma_semaphore, #tpu.memory_space<semaphore_mem>>) src(%arg9 : memref<128x128xf32, #tpu.memory_space<vmem>>) dst(%dma_wait3A_61 : memref<128x128xf32, #tpu.memory_space<vmem_shared>>)
      tpu.yield
    }) : () -> ()
    %barrier3A = arith.constant 0 : index
    tpu.barrier barrier_id(%barrier3A)
    %mul3A_13 = arith.constant 10240 : i32
    %mul3A_14 = arith.muli %add3A, %mul3A_13 : i32
    %scan3A = arith.constant 0 : i32
    %scan3A_15 = arith.constant 0 : i32
    %scan3A_16 = arith.constant 80 : i32
    %scan3A_17 = arith.addi %scan3A_15, %scan3A_16 : i32
    %scan3A_18 = arith.constant 1 : i32
    scf.for %scan3A_56 = %scan3A_15 to %scan3A_17 step %scan3A_18  : i32 {
      %mul3A_57 = arith.constant 128 : i32
      %mul3A_58 = arith.muli %scan3A_56, %mul3A_57 : i32
      %add3A_59 = arith.addi %mul3A_14, %mul3A_58 : i32
      "tpu.region"() ({
        %run_scoped3A = tpu.sem_alloc : memref<!tpu.dma_semaphore, #tpu.memory_space<semaphore_mem>>
        %dma_start3A_67 = tpu.memref_slice %arg3[%add3A_59] : memref<327680xi32, #tpu.memory_space<hbm>> -> memref<128xi32, #tpu.memory_space<hbm>>
        %dma_start3A_68 = tpu.memref_slice %arg3[%add3A_59] : memref<327680xi32, #tpu.memory_space<hbm>> -> memref<128xi32, #tpu.memory_space<hbm>>
        tpu.enqueue_dma source(%dma_start3A_68 : memref<128xi32, #tpu.memory_space<hbm>>) target(%arg7 : memref<128xi32, #tpu.memory_space<vmem>>) target_semaphore(%run_scoped3A : memref<!tpu.dma_semaphore, #tpu.memory_space<semaphore_mem>>)
        %dma_wait3A_69 = tpu.memref_slice %arg3[%add3A_59] : memref<327680xi32, #tpu.memory_space<hbm>> -> memref<128xi32, #tpu.memory_space<hbm>>
        %dma_wait3A_70 = tpu.memref_slice %arg3[%add3A_59] : memref<327680xi32, #tpu.memory_space<hbm>> -> memref<128xi32, #tpu.memory_space<hbm>>
        tpu.wait_dma2 semaphore(%run_scoped3A : memref<!tpu.dma_semaphore, #tpu.memory_space<semaphore_mem>>) src(%dma_wait3A_70 : memref<128xi32, #tpu.memory_space<hbm>>) dst(%arg7 : memref<128xi32, #tpu.memory_space<vmem>>)
        tpu.yield
      }) : () -> ()
      %mul3A_60 = arith.constant 128 : i32
      %mul3A_61 = arith.muli %scan3A_56, %mul3A_60 : i32
      %add3A_62 = arith.addi %mul3A_14, %mul3A_61 : i32
      "tpu.region"() ({
        %run_scoped3A = tpu.sem_alloc : memref<!tpu.dma_semaphore, #tpu.memory_space<semaphore_mem>>
        %dma_start3A_67 = tpu.memref_slice %arg4[%add3A_62] : memref<327680xi32, #tpu.memory_space<hbm>> -> memref<128xi32, #tpu.memory_space<hbm>>
        %dma_start3A_68 = tpu.memref_slice %arg4[%add3A_62] : memref<327680xi32, #tpu.memory_space<hbm>> -> memref<128xi32, #tpu.memory_space<hbm>>
        tpu.enqueue_dma source(%dma_start3A_68 : memref<128xi32, #tpu.memory_space<hbm>>) target(%arg8 : memref<128xi32, #tpu.memory_space<vmem>>) target_semaphore(%run_scoped3A : memref<!tpu.dma_semaphore, #tpu.memory_space<semaphore_mem>>)
        %dma_wait3A_69 = tpu.memref_slice %arg4[%add3A_62] : memref<327680xi32, #tpu.memory_space<hbm>> -> memref<128xi32, #tpu.memory_space<hbm>>
        %dma_wait3A_70 = tpu.memref_slice %arg4[%add3A_62] : memref<327680xi32, #tpu.memory_space<hbm>> -> memref<128xi32, #tpu.memory_space<hbm>>
        tpu.wait_dma2 semaphore(%run_scoped3A : memref<!tpu.dma_semaphore, #tpu.memory_space<semaphore_mem>>) src(%dma_wait3A_70 : memref<128xi32, #tpu.memory_space<hbm>>) dst(%arg8 : memref<128xi32, #tpu.memory_space<vmem>>)
        tpu.yield
      }) : () -> ()
      %dma_start3A = arith.constant 0 : i32
      %dma_start3A_63 = arith.constant 0 : i32
      %dma_start3A_64 = tpu.memref_slice %arg2[%dma_start3A, %dma_start3A_63] : memref<10240x128xf32, #tpu.memory_space<hbm>> -> memref<10240x128xf32, #tpu.memory_space<hbm>>
      tpu.enqueue_indirect_dma source(%dma_start3A_64 : memref<10240x128xf32, #tpu.memory_space<hbm>>) target(%arg9 : memref<128x128xf32, #tpu.memory_space<vmem>>) offsets(%arg7 : memref<128xi32, #tpu.memory_space<vmem>>) semaphore(%arg11 : memref<!tpu.dma_semaphore, #tpu.memory_space<semaphore_mem>>)
      %dma_wait3A = arith.constant 0 : i32
      %dma_wait3A_65 = arith.constant 0 : i32
      %dma_wait3A_66 = tpu.memref_slice %arg2[%dma_wait3A, %dma_wait3A_65] : memref<10240x128xf32, #tpu.memory_space<hbm>> -> memref<10240x128xf32, #tpu.memory_space<hbm>>
      tpu.wait_indirect_dma semaphore(%arg11 : memref<!tpu.dma_semaphore, #tpu.memory_space<semaphore_mem>>) src(%dma_wait3A_66 : memref<10240x128xf32, #tpu.memory_space<hbm>>) dst(%arg9 : memref<128x128xf32, #tpu.memory_space<vmem>>)
      "tpu.region"() ({
        %run_scoped3A = tpu.sem_alloc : memref<!tpu.dma_semaphore, #tpu.memory_space<semaphore_mem>>
        %dma_start3A_67 = arith.constant 0 : i32
        %dma_start3A_68 = arith.constant 0 : i32
        %dma_start3A_69 = tpu.memref_slice %arg10[%dma_start3A_67, %dma_start3A_68] : memref<10240x128xf32, #tpu.memory_space<vmem_shared>> -> memref<10240x128xf32, #tpu.memory_space<vmem_shared>>
        tpu.enqueue_indirect_dma source(%arg9 : memref<128x128xf32, #tpu.memory_space<vmem>>) target(%dma_start3A_69 : memref<10240x128xf32, #tpu.memory_space<vmem_shared>>) offsets(%arg8 : memref<128xi32, #tpu.memory_space<vmem>>) semaphore(%run_scoped3A : memref<!tpu.dma_semaphore, #tpu.memory_space<semaphore_mem>>) {add = true}
        %dma_wait3A_70 = arith.constant 0 : i32
        %dma_wait3A_71 = arith.constant 0 : i32
        %dma_wait3A_72 = tpu.memref_slice %arg10[%dma_wait3A_70, %dma_wait3A_71] : memref<10240x128xf32, #tpu.memory_space<vmem_shared>> -> memref<10240x128xf32, #tpu.memory_space<vmem_shared>>
        tpu.wait_indirect_dma semaphore(%run_scoped3A : memref<!tpu.dma_semaphore, #tpu.memory_space<semaphore_mem>>) src(%arg9 : memref<128x128xf32, #tpu.memory_space<vmem>>) dst(%dma_wait3A_72 : memref<10240x128xf32, #tpu.memory_space<vmem_shared>>)
        tpu.yield
      }) : () -> ()
    }
    %scan3A_19 = arith.constant 80 : i32
    %barrier3A_20 = arith.constant 0 : index
    tpu.barrier barrier_id(%barrier3A_20)
    %add3A_21 = arith.constant 0 : i32
    %add3A_22 = arith.addi %mul3A_2, %add3A_21 : i32
    "tpu.region"() ({
      %run_scoped3A = tpu.sem_alloc : memref<!tpu.dma_semaphore, #tpu.memory_space<semaphore_mem>>
      %dma_start3A = arith.constant 0 : i32
      %dma_start3A_56 = tpu.memref_slice %arg10[%add3A_22, %dma_start3A] : memref<10240x128xf32, #tpu.memory_space<vmem_shared>> -> memref<128x128xf32, #tpu.memory_space<vmem_shared>>
      %dma_start3A_57 = arith.constant 0 : i32
      %dma_start3A_58 = tpu.memref_slice %arg10[%add3A_22, %dma_start3A_57] : memref<10240x128xf32, #tpu.memory_space<vmem_shared>> -> memref<128x128xf32, #tpu.memory_space<vmem_shared>>
      tpu.enqueue_dma source(%dma_start3A_58 : memref<128x128xf32, #tpu.memory_space<vmem_shared>>) target(%arg9 : memref<128x128xf32, #tpu.memory_space<vmem>>) target_semaphore(%run_scoped3A : memref<!tpu.dma_semaphore, #tpu.memory_space<semaphore_mem>>)
      %dma_wait3A = arith.constant 0 : i32
      %dma_wait3A_59 = tpu.memref_slice %arg10[%add3A_22, %dma_wait3A] : memref<10240x128xf32, #tpu.memory_space<vmem_shared>> -> memref<128x128xf32, #tpu.memory_space<vmem_shared>>
      %dma_wait3A_60 = arith.constant 0 : i32
      %dma_wait3A_61 = tpu.memref_slice %arg10[%add3A_22, %dma_wait3A_60] : memref<10240x128xf32, #tpu.memory_space<vmem_shared>> -> memref<128x128xf32, #tpu.memory_space<vmem_shared>>
      tpu.wait_dma2 semaphore(%run_scoped3A : memref<!tpu.dma_semaphore, #tpu.memory_space<semaphore_mem>>) src(%dma_wait3A_61 : memref<128x128xf32, #tpu.memory_space<vmem_shared>>) dst(%arg9 : memref<128x128xf32, #tpu.memory_space<vmem>>)
      tpu.yield
    }) : () -> ()
    %mul3A_23 = arith.constant 10240 : i32
    %mul3A_24 = arith.muli %arg0, %mul3A_23 : i32
    %add3A_25 = arith.addi %mul3A_24, %mul3A_2 : i32
    %add3A_26 = arith.constant 0 : i32
    %add3A_27 = arith.addi %add3A_25, %add3A_26 : i32
    "tpu.region"() ({
      %run_scoped3A = tpu.sem_alloc : memref<!tpu.dma_semaphore, #tpu.memory_space<semaphore_mem>>
      %dma_start3A = arith.constant 0 : i32
      %dma_start3A_56 = tpu.memref_slice %arg6[%add3A_27, %dma_start3A] : memref<20480x128xf32, #tpu.memory_space<hbm>> -> memref<128x128xf32, #tpu.memory_space<hbm>>
      %dma_start3A_57 = arith.constant 0 : i32
      %dma_start3A_58 = tpu.memref_slice %arg6[%add3A_27, %dma_start3A_57] : memref<20480x128xf32, #tpu.memory_space<hbm>> -> memref<128x128xf32, #tpu.memory_space<hbm>>
      tpu.enqueue_dma source(%arg9 : memref<128x128xf32, #tpu.memory_space<vmem>>) target(%dma_start3A_58 : memref<128x128xf32, #tpu.memory_space<hbm>>) target_semaphore(%run_scoped3A : memref<!tpu.dma_semaphore, #tpu.memory_space<semaphore_mem>>)
      %dma_wait3A = arith.constant 0 : i32
      %dma_wait3A_59 = tpu.memref_slice %arg6[%add3A_27, %dma_wait3A] : memref<20480x128xf32, #tpu.memory_space<hbm>> -> memref<128x128xf32, #tpu.memory_space<hbm>>
      %dma_wait3A_60 = arith.constant 0 : i32
      %dma_wait3A_61 = tpu.memref_slice %arg6[%add3A_27, %dma_wait3A_60] : memref<20480x128xf32, #tpu.memory_space<hbm>> -> memref<128x128xf32, #tpu.memory_space<hbm>>
      tpu.wait_dma2 semaphore(%run_scoped3A : memref<!tpu.dma_semaphore, #tpu.memory_space<semaphore_mem>>) src(%arg9 : memref<128x128xf32, #tpu.memory_space<vmem>>) dst(%dma_wait3A_61 : memref<128x128xf32, #tpu.memory_space<hbm>>)
      tpu.yield
    }) : () -> ()
    %add3A_28 = arith.constant 128 : i32
    %add3A_29 = arith.addi %mul3A_2, %add3A_28 : i32
    "tpu.region"() ({
      %run_scoped3A = tpu.sem_alloc : memref<!tpu.dma_semaphore, #tpu.memory_space<semaphore_mem>>
      %dma_start3A = arith.constant 0 : i32
      %dma_start3A_56 = tpu.memref_slice %arg10[%add3A_29, %dma_start3A] : memref<10240x128xf32, #tpu.memory_space<vmem_shared>> -> memref<128x128xf32, #tpu.memory_space<vmem_shared>>
      %dma_start3A_57 = arith.constant 0 : i32
      %dma_start3A_58 = tpu.memref_slice %arg10[%add3A_29, %dma_start3A_57] : memref<10240x128xf32, #tpu.memory_space<vmem_shared>> -> memref<128x128xf32, #tpu.memory_space<vmem_shared>>
      tpu.enqueue_dma source(%dma_start3A_58 : memref<128x128xf32, #tpu.memory_space<vmem_shared>>) target(%arg9 : memref<128x128xf32, #tpu.memory_space<vmem>>) target_semaphore(%run_scoped3A : memref<!tpu.dma_semaphore, #tpu.memory_space<semaphore_mem>>)
      %dma_wait3A = arith.constant 0 : i32
      %dma_wait3A_59 = tpu.memref_slice %arg10[%add3A_29, %dma_wait3A] : memref<10240x128xf32, #tpu.memory_space<vmem_shared>> -> memref<128x128xf32, #tpu.memory_space<vmem_shared>>
      %dma_wait3A_60 = arith.constant 0 : i32
      %dma_wait3A_61 = tpu.memref_slice %arg10[%add3A_29, %dma_wait3A_60] : memref<10240x128xf32, #tpu.memory_space<vmem_shared>> -> memref<128x128xf32, #tpu.memory_space<vmem_shared>>
      tpu.wait_dma2 semaphore(%run_scoped3A : memref<!tpu.dma_semaphore, #tpu.memory_space<semaphore_mem>>) src(%dma_wait3A_61 : memref<128x128xf32, #tpu.memory_space<vmem_shared>>) dst(%arg9 : memref<128x128xf32, #tpu.memory_space<vmem>>)
      tpu.yield
    }) : () -> ()
    %mul3A_30 = arith.constant 10240 : i32
    %mul3A_31 = arith.muli %arg0, %mul3A_30 : i32
    %add3A_32 = arith.addi %mul3A_31, %mul3A_2 : i32
    %add3A_33 = arith.constant 128 : i32
    %add3A_34 = arith.addi %add3A_32, %add3A_33 : i32
    "tpu.region"() ({
      %run_scoped3A = tpu.sem_alloc : memref<!tpu.dma_semaphore, #tpu.memory_space<semaphore_mem>>
      %dma_start3A = arith.constant 0 : i32
      %dma_start3A_56 = tpu.memref_slice %arg6[%add3A_34, %dma_start3A] : memref<20480x128xf32, #tpu.memory_space<hbm>> -> memref<128x128xf32, #tpu.memory_space<hbm>>
      %dma_start3A_57 = arith.constant 0 : i32
      %dma_start3A_58 = tpu.memref_slice %arg6[%add3A_34, %dma_start3A_57] : memref<20480x128xf32, #tpu.memory_space<hbm>> -> memref<128x128xf32, #tpu.memory_space<hbm>>
      tpu.enqueue_dma source(%arg9 : memref<128x128xf32, #tpu.memory_space<vmem>>) target(%dma_start3A_58 : memref<128x128xf32, #tpu.memory_space<hbm>>) target_semaphore(%run_scoped3A : memref<!tpu.dma_semaphore, #tpu.memory_space<semaphore_mem>>)
      %dma_wait3A = arith.constant 0 : i32
      %dma_wait3A_59 = tpu.memref_slice %arg6[%add3A_34, %dma_wait3A] : memref<20480x128xf32, #tpu.memory_space<hbm>> -> memref<128x128xf32, #tpu.memory_space<hbm>>
      %dma_wait3A_60 = arith.constant 0 : i32
      %dma_wait3A_61 = tpu.memref_slice %arg6[%add3A_34, %dma_wait3A_60] : memref<20480x128xf32, #tpu.memory_space<hbm>> -> memref<128x128xf32, #tpu.memory_space<hbm>>
      tpu.wait_dma2 semaphore(%run_scoped3A : memref<!tpu.dma_semaphore, #tpu.memory_space<semaphore_mem>>) src(%arg9 : memref<128x128xf32, #tpu.memory_space<vmem>>) dst(%dma_wait3A_61 : memref<128x128xf32, #tpu.memory_space<hbm>>)
      tpu.yield
    }) : () -> ()
    %add3A_35 = arith.constant 256 : i32
    %add3A_36 = arith.addi %mul3A_2, %add3A_35 : i32
    "tpu.region"() ({
      %run_scoped3A = tpu.sem_alloc : memref<!tpu.dma_semaphore, #tpu.memory_space<semaphore_mem>>
      %dma_start3A = arith.constant 0 : i32
      %dma_start3A_56 = tpu.memref_slice %arg10[%add3A_36, %dma_start3A] : memref<10240x128xf32, #tpu.memory_space<vmem_shared>> -> memref<128x128xf32, #tpu.memory_space<vmem_shared>>
      %dma_start3A_57 = arith.constant 0 : i32
      %dma_start3A_58 = tpu.memref_slice %arg10[%add3A_36, %dma_start3A_57] : memref<10240x128xf32, #tpu.memory_space<vmem_shared>> -> memref<128x128xf32, #tpu.memory_space<vmem_shared>>
      tpu.enqueue_dma source(%dma_start3A_58 : memref<128x128xf32, #tpu.memory_space<vmem_shared>>) target(%arg9 : memref<128x128xf32, #tpu.memory_space<vmem>>) target_semaphore(%run_scoped3A : memref<!tpu.dma_semaphore, #tpu.memory_space<semaphore_mem>>)
      %dma_wait3A = arith.constant 0 : i32
      %dma_wait3A_59 = tpu.memref_slice %arg10[%add3A_36, %dma_wait3A] : memref<10240x128xf32, #tpu.memory_space<vmem_shared>> -> memref<128x128xf32, #tpu.memory_space<vmem_shared>>
      %dma_wait3A_60 = arith.constant 0 : i32
      %dma_wait3A_61 = tpu.memref_slice %arg10[%add3A_36, %dma_wait3A_60] : memref<10240x128xf32, #tpu.memory_space<vmem_shared>> -> memref<128x128xf32, #tpu.memory_space<vmem_shared>>
      tpu.wait_dma2 semaphore(%run_scoped3A : memref<!tpu.dma_semaphore, #tpu.memory_space<semaphore_mem>>) src(%dma_wait3A_61 : memref<128x128xf32, #tpu.memory_space<vmem_shared>>) dst(%arg9 : memref<128x128xf32, #tpu.memory_space<vmem>>)
      tpu.yield
    }) : () -> ()
    %mul3A_37 = arith.constant 10240 : i32
    %mul3A_38 = arith.muli %arg0, %mul3A_37 : i32
    %add3A_39 = arith.addi %mul3A_38, %mul3A_2 : i32
    %add3A_40 = arith.constant 256 : i32
    %add3A_41 = arith.addi %add3A_39, %add3A_40 : i32
    "tpu.region"() ({
      %run_scoped3A = tpu.sem_alloc : memref<!tpu.dma_semaphore, #tpu.memory_space<semaphore_mem>>
      %dma_start3A = arith.constant 0 : i32
      %dma_start3A_56 = tpu.memref_slice %arg6[%add3A_41, %dma_start3A] : memref<20480x128xf32, #tpu.memory_space<hbm>> -> memref<128x128xf32, #tpu.memory_space<hbm>>
      %dma_start3A_57 = arith.constant 0 : i32
      %dma_start3A_58 = tpu.memref_slice %arg6[%add3A_41, %dma_start3A_57] : memref<20480x128xf32, #tpu.memory_space<hbm>> -> memref<128x128xf32, #tpu.memory_space<hbm>>
      tpu.enqueue_dma source(%arg9 : memref<128x128xf32, #tpu.memory_space<vmem>>) target(%dma_start3A_58 : memref<128x128xf32, #tpu.memory_space<hbm>>) target_semaphore(%run_scoped3A : memref<!tpu.dma_semaphore, #tpu.memory_space<semaphore_mem>>)
      %dma_wait3A = arith.constant 0 : i32
      %dma_wait3A_59 = tpu.memref_slice %arg6[%add3A_41, %dma_wait3A] : memref<20480x128xf32, #tpu.memory_space<hbm>> -> memref<128x128xf32, #tpu.memory_space<hbm>>
      %dma_wait3A_60 = arith.constant 0 : i32
      %dma_wait3A_61 = tpu.memref_slice %arg6[%add3A_41, %dma_wait3A_60] : memref<20480x128xf32, #tpu.memory_space<hbm>> -> memref<128x128xf32, #tpu.memory_space<hbm>>
      tpu.wait_dma2 semaphore(%run_scoped3A : memref<!tpu.dma_semaphore, #tpu.memory_space<semaphore_mem>>) src(%arg9 : memref<128x128xf32, #tpu.memory_space<vmem>>) dst(%dma_wait3A_61 : memref<128x128xf32, #tpu.memory_space<hbm>>)
      tpu.yield
    }) : () -> ()
    %add3A_42 = arith.constant 384 : i32
    %add3A_43 = arith.addi %mul3A_2, %add3A_42 : i32
    "tpu.region"() ({
      %run_scoped3A = tpu.sem_alloc : memref<!tpu.dma_semaphore, #tpu.memory_space<semaphore_mem>>
      %dma_start3A = arith.constant 0 : i32
      %dma_start3A_56 = tpu.memref_slice %arg10[%add3A_43, %dma_start3A] : memref<10240x128xf32, #tpu.memory_space<vmem_shared>> -> memref<128x128xf32, #tpu.memory_space<vmem_shared>>
      %dma_start3A_57 = arith.constant 0 : i32
      %dma_start3A_58 = tpu.memref_slice %arg10[%add3A_43, %dma_start3A_57] : memref<10240x128xf32, #tpu.memory_space<vmem_shared>> -> memref<128x128xf32, #tpu.memory_space<vmem_shared>>
      tpu.enqueue_dma source(%dma_start3A_58 : memref<128x128xf32, #tpu.memory_space<vmem_shared>>) target(%arg9 : memref<128x128xf32, #tpu.memory_space<vmem>>) target_semaphore(%run_scoped3A : memref<!tpu.dma_semaphore, #tpu.memory_space<semaphore_mem>>)
      %dma_wait3A = arith.constant 0 : i32
      %dma_wait3A_59 = tpu.memref_slice %arg10[%add3A_43, %dma_wait3A] : memref<10240x128xf32, #tpu.memory_space<vmem_shared>> -> memref<128x128xf32, #tpu.memory_space<vmem_shared>>
      %dma_wait3A_60 = arith.constant 0 : i32
      %dma_wait3A_61 = tpu.memref_slice %arg10[%add3A_43, %dma_wait3A_60] : memref<10240x128xf32, #tpu.memory_space<vmem_shared>> -> memref<128x128xf32, #tpu.memory_space<vmem_shared>>
      tpu.wait_dma2 semaphore(%run_scoped3A : memref<!tpu.dma_semaphore, #tpu.memory_space<semaphore_mem>>) src(%dma_wait3A_61 : memref<128x128xf32, #tpu.memory_space<vmem_shared>>) dst(%arg9 : memref<128x128xf32, #tpu.memory_space<vmem>>)
      tpu.yield
    }) : () -> ()
    %mul3A_44 = arith.constant 10240 : i32
    %mul3A_45 = arith.muli %arg0, %mul3A_44 : i32
    %add3A_46 = arith.addi %mul3A_45, %mul3A_2 : i32
    %add3A_47 = arith.constant 384 : i32
    %add3A_48 = arith.addi %add3A_46, %add3A_47 : i32
    "tpu.region"() ({
      %run_scoped3A = tpu.sem_alloc : memref<!tpu.dma_semaphore, #tpu.memory_space<semaphore_mem>>
      %dma_start3A = arith.constant 0 : i32
      %dma_start3A_56 = tpu.memref_slice %arg6[%add3A_48, %dma_start3A] : memref<20480x128xf32, #tpu.memory_space<hbm>> -> memref<128x128xf32, #tpu.memory_space<hbm>>
      %dma_start3A_57 = arith.constant 0 : i32
      %dma_start3A_58 = tpu.memref_slice %arg6[%add3A_48, %dma_start3A_57] : memref<20480x128xf32, #tpu.memory_space<hbm>> -> memref<128x128xf32, #tpu.memory_space<hbm>>
      tpu.enqueue_dma source(%arg9 : memref<128x128xf32, #tpu.memory_space<vmem>>) target(%dma_start3A_58 : memref<128x128xf32, #tpu.memory_space<hbm>>) target_semaphore(%run_scoped3A : memref<!tpu.dma_semaphore, #tpu.memory_space<semaphore_mem>>)
      %dma_wait3A = arith.constant 0 : i32
      %dma_wait3A_59 = tpu.memref_slice %arg6[%add3A_48, %dma_wait3A] : memref<20480x128xf32, #tpu.memory_space<hbm>> -> memref<128x128xf32, #tpu.memory_space<hbm>>
      %dma_wait3A_60 = arith.constant 0 : i32
      %dma_wait3A_61 = tpu.memref_slice %arg6[%add3A_48, %dma_wait3A_60] : memref<20480x128xf32, #tpu.memory_space<hbm>> -> memref<128x128xf32, #tpu.memory_space<hbm>>
      tpu.wait_dma2 semaphore(%run_scoped3A : memref<!tpu.dma_semaphore, #tpu.memory_space<semaphore_mem>>) src(%arg9 : memref<128x128xf32, #tpu.memory_space<vmem>>) dst(%dma_wait3A_61 : memref<128x128xf32, #tpu.memory_space<hbm>>)
      tpu.yield
    }) : () -> ()
    %add3A_49 = arith.constant 512 : i32
    %add3A_50 = arith.addi %mul3A_2, %add3A_49 : i32
    "tpu.region"() ({
      %run_scoped3A = tpu.sem_alloc : memref<!tpu.dma_semaphore, #tpu.memory_space<semaphore_mem>>
      %dma_start3A = arith.constant 0 : i32
      %dma_start3A_56 = tpu.memref_slice %arg10[%add3A_50, %dma_start3A] : memref<10240x128xf32, #tpu.memory_space<vmem_shared>> -> memref<128x128xf32, #tpu.memory_space<vmem_shared>>
      %dma_start3A_57 = arith.constant 0 : i32
      %dma_start3A_58 = tpu.memref_slice %arg10[%add3A_50, %dma_start3A_57] : memref<10240x128xf32, #tpu.memory_space<vmem_shared>> -> memref<128x128xf32, #tpu.memory_space<vmem_shared>>
      tpu.enqueue_dma source(%dma_start3A_58 : memref<128x128xf32, #tpu.memory_space<vmem_shared>>) target(%arg9 : memref<128x128xf32, #tpu.memory_space<vmem>>) target_semaphore(%run_scoped3A : memref<!tpu.dma_semaphore, #tpu.memory_space<semaphore_mem>>)
      %dma_wait3A = arith.constant 0 : i32
      %dma_wait3A_59 = tpu.memref_slice %arg10[%add3A_50, %dma_wait3A] : memref<10240x128xf32, #tpu.memory_space<vmem_shared>> -> memref<128x128xf32, #tpu.memory_space<vmem_shared>>
      %dma_wait3A_60 = arith.constant 0 : i32
      %dma_wait3A_61 = tpu.memref_slice %arg10[%add3A_50, %dma_wait3A_60] : memref<10240x128xf32, #tpu.memory_space<vmem_shared>> -> memref<128x128xf32, #tpu.memory_space<vmem_shared>>
      tpu.wait_dma2 semaphore(%run_scoped3A : memref<!tpu.dma_semaphore, #tpu.memory_space<semaphore_mem>>) src(%dma_wait3A_61 : memref<128x128xf32, #tpu.memory_space<vmem_shared>>) dst(%arg9 : memref<128x128xf32, #tpu.memory_space<vmem>>)
      tpu.yield
    }) : () -> ()
    %mul3A_51 = arith.constant 10240 : i32
    %mul3A_52 = arith.muli %arg0, %mul3A_51 : i32
    %add3A_53 = arith.addi %mul3A_52, %mul3A_2 : i32
    %add3A_54 = arith.constant 512 : i32
    %add3A_55 = arith.addi %add3A_53, %add3A_54 : i32
    "tpu.region"() ({
      %run_scoped3A = tpu.sem_alloc : memref<!tpu.dma_semaphore, #tpu.memory_space<semaphore_mem>>
      %dma_start3A = arith.constant 0 : i32
      %dma_start3A_56 = tpu.memref_slice %arg6[%add3A_55, %dma_start3A] : memref<20480x128xf32, #tpu.memory_space<hbm>> -> memref<128x128xf32, #tpu.memory_space<hbm>>
      %dma_start3A_57 = arith.constant 0 : i32
      %dma_start3A_58 = tpu.memref_slice %arg6[%add3A_55, %dma_start3A_57] : memref<20480x128xf32, #tpu.memory_space<hbm>> -> memref<128x128xf32, #tpu.memory_space<hbm>>
      tpu.enqueue_dma source(%arg9 : memref<128x128xf32, #tpu.memory_space<vmem>>) target(%dma_start3A_58 : memref<128x128xf32, #tpu.memory_space<hbm>>) target_semaphore(%run_scoped3A : memref<!tpu.dma_semaphore, #tpu.memory_space<semaphore_mem>>)
      %dma_wait3A = arith.constant 0 : i32
      %dma_wait3A_59 = tpu.memref_slice %arg6[%add3A_55, %dma_wait3A] : memref<20480x128xf32, #tpu.memory_space<hbm>> -> memref<128x128xf32, #tpu.memory_space<hbm>>
      %dma_wait3A_60 = arith.constant 0 : i32
      %dma_wait3A_61 = tpu.memref_slice %arg6[%add3A_55, %dma_wait3A_60] : memref<20480x128xf32, #tpu.memory_space<hbm>> -> memref<128x128xf32, #tpu.memory_space<hbm>>
      tpu.wait_dma2 semaphore(%run_scoped3A : memref<!tpu.dma_semaphore, #tpu.memory_space<semaphore_mem>>) src(%arg9 : memref<128x128xf32, #tpu.memory_space<vmem>>) dst(%dma_wait3A_61 : memref<128x128xf32, #tpu.memory_space<hbm>>)
      tpu.yield
    }) : () -> ()
    return
  }
}

#map = affine_map<(d0, d1) -> (0, 0)>
#map1 = affine_map<(d0, d1) -> (0)>
module attributes {stable_mosaic.version = 14 : i64} {
  func.func @_sc_agg_body(%arg0: i32, %arg1: i32, %arg2: memref<10240x128xf32, #tpu.memory_space<hbm>>, %arg3: memref<327680xi32, #tpu.memory_space<hbm>>, %arg4: memref<327680xi32, #tpu.memory_space<hbm>>, %arg5: memref<128x128xf32, #tpu.memory_space<hbm>>, %arg6: memref<20480x128xf32, #tpu.memory_space<hbm>>, %arg7: memref<128xi32, #tpu.memory_space<vmem>>, %arg8: memref<128xi32, #tpu.memory_space<vmem>>, %arg9: memref<128x128xf32, #tpu.memory_space<vmem>>, %arg10: memref<10240x128xf32, #tpu.memory_space<vmem_shared>>, %arg11: memref<!tpu.dma_semaphore, #tpu.memory_space<semaphore_mem>>) attributes {dimension_semantics = [#tpu.dimension_semantics<core_parallel>, #tpu.dimension_semantics<subcore_parallel>], iteration_bounds = array<i64: 2, 16>, scalar_prefetch = 0 : i64, scratch_operands = 5 : i64, tpu.core_type = #tpu.core_type<sc_vector_subcore>, window_params = [{transform_indices = #map}, {transform_indices = #map1}, {transform_indices = #map1}, {transform_indices = #map}, {transform_indices = #map}]} {
    %mul3A = arith.constant 2 : i32
    %mul3A_0 = arith.muli %arg1, %mul3A : i32
    %add3A = arith.addi %mul3A_0, %arg0 : i32
    %mul3A_1 = arith.constant 640 : i32
    %mul3A_2 = arith.muli %arg1, %mul3A_1 : i32
    "tpu.region"() ({
      %run_scoped3A = tpu.sem_alloc : memref<!tpu.dma_semaphore, #tpu.memory_space<semaphore_mem>>
      tpu.enqueue_dma source(%arg5 : memref<128x128xf32, #tpu.memory_space<hbm>>) target(%arg9 : memref<128x128xf32, #tpu.memory_space<vmem>>) target_semaphore(%run_scoped3A : memref<!tpu.dma_semaphore, #tpu.memory_space<semaphore_mem>>)
      tpu.wait_dma2 semaphore(%run_scoped3A : memref<!tpu.dma_semaphore, #tpu.memory_space<semaphore_mem>>) src(%arg5 : memref<128x128xf32, #tpu.memory_space<hbm>>) dst(%arg9 : memref<128x128xf32, #tpu.memory_space<vmem>>)
      tpu.yield
    }) : () -> ()
    %add3A_3 = arith.constant 0 : i32
    %add3A_4 = arith.addi %mul3A_2, %add3A_3 : i32
    "tpu.region"() ({
      %run_scoped3A = tpu.sem_alloc : memref<!tpu.dma_semaphore, #tpu.memory_space<semaphore_mem>>
      %dma_start3A = arith.constant 0 : i32
      %dma_start3A_56 = tpu.memref_slice %arg10[%add3A_4, %dma_start3A] : memref<10240x128xf32, #tpu.memory_space<vmem_shared>> -> memref<128x128xf32, #tpu.memory_space<vmem_shared>>
      %dma_start3A_57 = arith.constant 0 : i32
      %dma_start3A_58 = tpu.memref_slice %arg10[%add3A_4, %dma_start3A_57] : memref<10240x128xf32, #tpu.memory_space<vmem_shared>> -> memref<128x128xf32, #tpu.memory_space<vmem_shared>>
      tpu.enqueue_dma source(%arg9 : memref<128x128xf32, #tpu.memory_space<vmem>>) target(%dma_start3A_58 : memref<128x128xf32, #tpu.memory_space<vmem_shared>>) target_semaphore(%run_scoped3A : memref<!tpu.dma_semaphore, #tpu.memory_space<semaphore_mem>>)
      %dma_wait3A = arith.constant 0 : i32
      %dma_wait3A_59 = tpu.memref_slice %arg10[%add3A_4, %dma_wait3A] : memref<10240x128xf32, #tpu.memory_space<vmem_shared>> -> memref<128x128xf32, #tpu.memory_space<vmem_shared>>
      %dma_wait3A_60 = arith.constant 0 : i32
      %dma_wait3A_61 = tpu.memref_slice %arg10[%add3A_4, %dma_wait3A_60] : memref<10240x128xf32, #tpu.memory_space<vmem_shared>> -> memref<128x128xf32, #tpu.memory_space<vmem_shared>>
      tpu.wait_dma2 semaphore(%run_scoped3A : memref<!tpu.dma_semaphore, #tpu.memory_space<semaphore_mem>>) src(%arg9 : memref<128x128xf32, #tpu.memory_space<vmem>>) dst(%dma_wait3A_61 : memref<128x128xf32, #tpu.memory_space<vmem_shared>>)
      tpu.yield
    }) : () -> ()
    %add3A_5 = arith.constant 128 : i32
    %add3A_6 = arith.addi %mul3A_2, %add3A_5 : i32
    "tpu.region"() ({
      %run_scoped3A = tpu.sem_alloc : memref<!tpu.dma_semaphore, #tpu.memory_space<semaphore_mem>>
      %dma_start3A = arith.constant 0 : i32
      %dma_start3A_56 = tpu.memref_slice %arg10[%add3A_6, %dma_start3A] : memref<10240x128xf32, #tpu.memory_space<vmem_shared>> -> memref<128x128xf32, #tpu.memory_space<vmem_shared>>
      %dma_start3A_57 = arith.constant 0 : i32
      %dma_start3A_58 = tpu.memref_slice %arg10[%add3A_6, %dma_start3A_57] : memref<10240x128xf32, #tpu.memory_space<vmem_shared>> -> memref<128x128xf32, #tpu.memory_space<vmem_shared>>
      tpu.enqueue_dma source(%arg9 : memref<128x128xf32, #tpu.memory_space<vmem>>) target(%dma_start3A_58 : memref<128x128xf32, #tpu.memory_space<vmem_shared>>) target_semaphore(%run_scoped3A : memref<!tpu.dma_semaphore, #tpu.memory_space<semaphore_mem>>)
      %dma_wait3A = arith.constant 0 : i32
      %dma_wait3A_59 = tpu.memref_slice %arg10[%add3A_6, %dma_wait3A] : memref<10240x128xf32, #tpu.memory_space<vmem_shared>> -> memref<128x128xf32, #tpu.memory_space<vmem_shared>>
      %dma_wait3A_60 = arith.constant 0 : i32
      %dma_wait3A_61 = tpu.memref_slice %arg10[%add3A_6, %dma_wait3A_60] : memref<10240x128xf32, #tpu.memory_space<vmem_shared>> -> memref<128x128xf32, #tpu.memory_space<vmem_shared>>
      tpu.wait_dma2 semaphore(%run_scoped3A : memref<!tpu.dma_semaphore, #tpu.memory_space<semaphore_mem>>) src(%arg9 : memref<128x128xf32, #tpu.memory_space<vmem>>) dst(%dma_wait3A_61 : memref<128x128xf32, #tpu.memory_space<vmem_shared>>)
      tpu.yield
    }) : () -> ()
    %add3A_7 = arith.constant 256 : i32
    %add3A_8 = arith.addi %mul3A_2, %add3A_7 : i32
    "tpu.region"() ({
      %run_scoped3A = tpu.sem_alloc : memref<!tpu.dma_semaphore, #tpu.memory_space<semaphore_mem>>
      %dma_start3A = arith.constant 0 : i32
      %dma_start3A_56 = tpu.memref_slice %arg10[%add3A_8, %dma_start3A] : memref<10240x128xf32, #tpu.memory_space<vmem_shared>> -> memref<128x128xf32, #tpu.memory_space<vmem_shared>>
      %dma_start3A_57 = arith.constant 0 : i32
      %dma_start3A_58 = tpu.memref_slice %arg10[%add3A_8, %dma_start3A_57] : memref<10240x128xf32, #tpu.memory_space<vmem_shared>> -> memref<128x128xf32, #tpu.memory_space<vmem_shared>>
      tpu.enqueue_dma source(%arg9 : memref<128x128xf32, #tpu.memory_space<vmem>>) target(%dma_start3A_58 : memref<128x128xf32, #tpu.memory_space<vmem_shared>>) target_semaphore(%run_scoped3A : memref<!tpu.dma_semaphore, #tpu.memory_space<semaphore_mem>>)
      %dma_wait3A = arith.constant 0 : i32
      %dma_wait3A_59 = tpu.memref_slice %arg10[%add3A_8, %dma_wait3A] : memref<10240x128xf32, #tpu.memory_space<vmem_shared>> -> memref<128x128xf32, #tpu.memory_space<vmem_shared>>
      %dma_wait3A_60 = arith.constant 0 : i32
      %dma_wait3A_61 = tpu.memref_slice %arg10[%add3A_8, %dma_wait3A_60] : memref<10240x128xf32, #tpu.memory_space<vmem_shared>> -> memref<128x128xf32, #tpu.memory_space<vmem_shared>>
      tpu.wait_dma2 semaphore(%run_scoped3A : memref<!tpu.dma_semaphore, #tpu.memory_space<semaphore_mem>>) src(%arg9 : memref<128x128xf32, #tpu.memory_space<vmem>>) dst(%dma_wait3A_61 : memref<128x128xf32, #tpu.memory_space<vmem_shared>>)
      tpu.yield
    }) : () -> ()
    %add3A_9 = arith.constant 384 : i32
    %add3A_10 = arith.addi %mul3A_2, %add3A_9 : i32
    "tpu.region"() ({
      %run_scoped3A = tpu.sem_alloc : memref<!tpu.dma_semaphore, #tpu.memory_space<semaphore_mem>>
      %dma_start3A = arith.constant 0 : i32
      %dma_start3A_56 = tpu.memref_slice %arg10[%add3A_10, %dma_start3A] : memref<10240x128xf32, #tpu.memory_space<vmem_shared>> -> memref<128x128xf32, #tpu.memory_space<vmem_shared>>
      %dma_start3A_57 = arith.constant 0 : i32
      %dma_start3A_58 = tpu.memref_slice %arg10[%add3A_10, %dma_start3A_57] : memref<10240x128xf32, #tpu.memory_space<vmem_shared>> -> memref<128x128xf32, #tpu.memory_space<vmem_shared>>
      tpu.enqueue_dma source(%arg9 : memref<128x128xf32, #tpu.memory_space<vmem>>) target(%dma_start3A_58 : memref<128x128xf32, #tpu.memory_space<vmem_shared>>) target_semaphore(%run_scoped3A : memref<!tpu.dma_semaphore, #tpu.memory_space<semaphore_mem>>)
      %dma_wait3A = arith.constant 0 : i32
      %dma_wait3A_59 = tpu.memref_slice %arg10[%add3A_10, %dma_wait3A] : memref<10240x128xf32, #tpu.memory_space<vmem_shared>> -> memref<128x128xf32, #tpu.memory_space<vmem_shared>>
      %dma_wait3A_60 = arith.constant 0 : i32
      %dma_wait3A_61 = tpu.memref_slice %arg10[%add3A_10, %dma_wait3A_60] : memref<10240x128xf32, #tpu.memory_space<vmem_shared>> -> memref<128x128xf32, #tpu.memory_space<vmem_shared>>
      tpu.wait_dma2 semaphore(%run_scoped3A : memref<!tpu.dma_semaphore, #tpu.memory_space<semaphore_mem>>) src(%arg9 : memref<128x128xf32, #tpu.memory_space<vmem>>) dst(%dma_wait3A_61 : memref<128x128xf32, #tpu.memory_space<vmem_shared>>)
      tpu.yield
    }) : () -> ()
    %add3A_11 = arith.constant 512 : i32
    %add3A_12 = arith.addi %mul3A_2, %add3A_11 : i32
    "tpu.region"() ({
      %run_scoped3A = tpu.sem_alloc : memref<!tpu.dma_semaphore, #tpu.memory_space<semaphore_mem>>
      %dma_start3A = arith.constant 0 : i32
      %dma_start3A_56 = tpu.memref_slice %arg10[%add3A_12, %dma_start3A] : memref<10240x128xf32, #tpu.memory_space<vmem_shared>> -> memref<128x128xf32, #tpu.memory_space<vmem_shared>>
      %dma_start3A_57 = arith.constant 0 : i32
      %dma_start3A_58 = tpu.memref_slice %arg10[%add3A_12, %dma_start3A_57] : memref<10240x128xf32, #tpu.memory_space<vmem_shared>> -> memref<128x128xf32, #tpu.memory_space<vmem_shared>>
      tpu.enqueue_dma source(%arg9 : memref<128x128xf32, #tpu.memory_space<vmem>>) target(%dma_start3A_58 : memref<128x128xf32, #tpu.memory_space<vmem_shared>>) target_semaphore(%run_scoped3A : memref<!tpu.dma_semaphore, #tpu.memory_space<semaphore_mem>>)
      %dma_wait3A = arith.constant 0 : i32
      %dma_wait3A_59 = tpu.memref_slice %arg10[%add3A_12, %dma_wait3A] : memref<10240x128xf32, #tpu.memory_space<vmem_shared>> -> memref<128x128xf32, #tpu.memory_space<vmem_shared>>
      %dma_wait3A_60 = arith.constant 0 : i32
      %dma_wait3A_61 = tpu.memref_slice %arg10[%add3A_12, %dma_wait3A_60] : memref<10240x128xf32, #tpu.memory_space<vmem_shared>> -> memref<128x128xf32, #tpu.memory_space<vmem_shared>>
      tpu.wait_dma2 semaphore(%run_scoped3A : memref<!tpu.dma_semaphore, #tpu.memory_space<semaphore_mem>>) src(%arg9 : memref<128x128xf32, #tpu.memory_space<vmem>>) dst(%dma_wait3A_61 : memref<128x128xf32, #tpu.memory_space<vmem_shared>>)
      tpu.yield
    }) : () -> ()
    %barrier3A = arith.constant 0 : index
    tpu.barrier barrier_id(%barrier3A)
    %mul3A_13 = arith.constant 10240 : i32
    %mul3A_14 = arith.muli %add3A, %mul3A_13 : i32
    %scan3A = arith.constant 0 : i32
    %scan3A_15 = arith.constant 0 : i32
    %scan3A_16 = arith.constant 80 : i32
    %scan3A_17 = arith.addi %scan3A_15, %scan3A_16 : i32
    %scan3A_18 = arith.constant 1 : i32
    scf.for %scan3A_56 = %scan3A_15 to %scan3A_17 step %scan3A_18  : i32 {
      %mul3A_57 = arith.constant 128 : i32
      %mul3A_58 = arith.muli %scan3A_56, %mul3A_57 : i32
      %add3A_59 = arith.addi %mul3A_14, %mul3A_58 : i32
      "tpu.region"() ({
        %run_scoped3A = tpu.sem_alloc : memref<!tpu.dma_semaphore, #tpu.memory_space<semaphore_mem>>
        %dma_start3A_67 = tpu.memref_slice %arg3[%add3A_59] : memref<327680xi32, #tpu.memory_space<hbm>> -> memref<128xi32, #tpu.memory_space<hbm>>
        %dma_start3A_68 = tpu.memref_slice %arg3[%add3A_59] : memref<327680xi32, #tpu.memory_space<hbm>> -> memref<128xi32, #tpu.memory_space<hbm>>
        tpu.enqueue_dma source(%dma_start3A_68 : memref<128xi32, #tpu.memory_space<hbm>>) target(%arg7 : memref<128xi32, #tpu.memory_space<vmem>>) target_semaphore(%run_scoped3A : memref<!tpu.dma_semaphore, #tpu.memory_space<semaphore_mem>>)
        %dma_wait3A_69 = tpu.memref_slice %arg3[%add3A_59] : memref<327680xi32, #tpu.memory_space<hbm>> -> memref<128xi32, #tpu.memory_space<hbm>>
        %dma_wait3A_70 = tpu.memref_slice %arg3[%add3A_59] : memref<327680xi32, #tpu.memory_space<hbm>> -> memref<128xi32, #tpu.memory_space<hbm>>
        tpu.wait_dma2 semaphore(%run_scoped3A : memref<!tpu.dma_semaphore, #tpu.memory_space<semaphore_mem>>) src(%dma_wait3A_70 : memref<128xi32, #tpu.memory_space<hbm>>) dst(%arg7 : memref<128xi32, #tpu.memory_space<vmem>>)
        tpu.yield
      }) : () -> ()
      %mul3A_60 = arith.constant 128 : i32
      %mul3A_61 = arith.muli %scan3A_56, %mul3A_60 : i32
      %add3A_62 = arith.addi %mul3A_14, %mul3A_61 : i32
      "tpu.region"() ({
        %run_scoped3A = tpu.sem_alloc : memref<!tpu.dma_semaphore, #tpu.memory_space<semaphore_mem>>
        %dma_start3A_67 = tpu.memref_slice %arg4[%add3A_62] : memref<327680xi32, #tpu.memory_space<hbm>> -> memref<128xi32, #tpu.memory_space<hbm>>
        %dma_start3A_68 = tpu.memref_slice %arg4[%add3A_62] : memref<327680xi32, #tpu.memory_space<hbm>> -> memref<128xi32, #tpu.memory_space<hbm>>
        tpu.enqueue_dma source(%dma_start3A_68 : memref<128xi32, #tpu.memory_space<hbm>>) target(%arg8 : memref<128xi32, #tpu.memory_space<vmem>>) target_semaphore(%run_scoped3A : memref<!tpu.dma_semaphore, #tpu.memory_space<semaphore_mem>>)
        %dma_wait3A_69 = tpu.memref_slice %arg4[%add3A_62] : memref<327680xi32, #tpu.memory_space<hbm>> -> memref<128xi32, #tpu.memory_space<hbm>>
        %dma_wait3A_70 = tpu.memref_slice %arg4[%add3A_62] : memref<327680xi32, #tpu.memory_space<hbm>> -> memref<128xi32, #tpu.memory_space<hbm>>
        tpu.wait_dma2 semaphore(%run_scoped3A : memref<!tpu.dma_semaphore, #tpu.memory_space<semaphore_mem>>) src(%dma_wait3A_70 : memref<128xi32, #tpu.memory_space<hbm>>) dst(%arg8 : memref<128xi32, #tpu.memory_space<vmem>>)
        tpu.yield
      }) : () -> ()
      %dma_start3A = arith.constant 0 : i32
      %dma_start3A_63 = arith.constant 0 : i32
      %dma_start3A_64 = tpu.memref_slice %arg2[%dma_start3A, %dma_start3A_63] : memref<10240x128xf32, #tpu.memory_space<hbm>> -> memref<10240x128xf32, #tpu.memory_space<hbm>>
      tpu.enqueue_indirect_dma source(%dma_start3A_64 : memref<10240x128xf32, #tpu.memory_space<hbm>>) target(%arg9 : memref<128x128xf32, #tpu.memory_space<vmem>>) offsets(%arg7 : memref<128xi32, #tpu.memory_space<vmem>>) semaphore(%arg11 : memref<!tpu.dma_semaphore, #tpu.memory_space<semaphore_mem>>)
      %dma_wait3A = arith.constant 0 : i32
      %dma_wait3A_65 = arith.constant 0 : i32
      %dma_wait3A_66 = tpu.memref_slice %arg2[%dma_wait3A, %dma_wait3A_65] : memref<10240x128xf32, #tpu.memory_space<hbm>> -> memref<10240x128xf32, #tpu.memory_space<hbm>>
      tpu.wait_indirect_dma semaphore(%arg11 : memref<!tpu.dma_semaphore, #tpu.memory_space<semaphore_mem>>) src(%dma_wait3A_66 : memref<10240x128xf32, #tpu.memory_space<hbm>>) dst(%arg9 : memref<128x128xf32, #tpu.memory_space<vmem>>)
      "tpu.region"() ({
        %run_scoped3A = tpu.sem_alloc : memref<!tpu.dma_semaphore, #tpu.memory_space<semaphore_mem>>
        %dma_start3A_67 = arith.constant 0 : i32
        %dma_start3A_68 = arith.constant 0 : i32
        %dma_start3A_69 = tpu.memref_slice %arg10[%dma_start3A_67, %dma_start3A_68] : memref<10240x128xf32, #tpu.memory_space<vmem_shared>> -> memref<10240x128xf32, #tpu.memory_space<vmem_shared>>
        tpu.enqueue_indirect_dma source(%arg9 : memref<128x128xf32, #tpu.memory_space<vmem>>) target(%dma_start3A_69 : memref<10240x128xf32, #tpu.memory_space<vmem_shared>>) offsets(%arg8 : memref<128xi32, #tpu.memory_space<vmem>>) semaphore(%run_scoped3A : memref<!tpu.dma_semaphore, #tpu.memory_space<semaphore_mem>>) {add = true}
        %dma_wait3A_70 = arith.constant 0 : i32
        %dma_wait3A_71 = arith.constant 0 : i32
        %dma_wait3A_72 = tpu.memref_slice %arg10[%dma_wait3A_70, %dma_wait3A_71] : memref<10240x128xf32, #tpu.memory_space<vmem_shared>> -> memref<10240x128xf32, #tpu.memory_space<vmem_shared>>
        tpu.wait_indirect_dma semaphore(%run_scoped3A : memref<!tpu.dma_semaphore, #tpu.memory_space<semaphore_mem>>) src(%arg9 : memref<128x128xf32, #tpu.memory_space<vmem>>) dst(%dma_wait3A_72 : memref<10240x128xf32, #tpu.memory_space<vmem_shared>>)
        tpu.yield
      }) : () -> ()
    }
    %scan3A_19 = arith.constant 80 : i32
    %barrier3A_20 = arith.constant 0 : index
    tpu.barrier barrier_id(%barrier3A_20)
    %add3A_21 = arith.constant 0 : i32
    %add3A_22 = arith.addi %mul3A_2, %add3A_21 : i32
    "tpu.region"() ({
      %run_scoped3A = tpu.sem_alloc : memref<!tpu.dma_semaphore, #tpu.memory_space<semaphore_mem>>
      %dma_start3A = arith.constant 0 : i32
      %dma_start3A_56 = tpu.memref_slice %arg10[%add3A_22, %dma_start3A] : memref<10240x128xf32, #tpu.memory_space<vmem_shared>> -> memref<128x128xf32, #tpu.memory_space<vmem_shared>>
      %dma_start3A_57 = arith.constant 0 : i32
      %dma_start3A_58 = tpu.memref_slice %arg10[%add3A_22, %dma_start3A_57] : memref<10240x128xf32, #tpu.memory_space<vmem_shared>> -> memref<128x128xf32, #tpu.memory_space<vmem_shared>>
      tpu.enqueue_dma source(%dma_start3A_58 : memref<128x128xf32, #tpu.memory_space<vmem_shared>>) target(%arg9 : memref<128x128xf32, #tpu.memory_space<vmem>>) target_semaphore(%run_scoped3A : memref<!tpu.dma_semaphore, #tpu.memory_space<semaphore_mem>>)
      %dma_wait3A = arith.constant 0 : i32
      %dma_wait3A_59 = tpu.memref_slice %arg10[%add3A_22, %dma_wait3A] : memref<10240x128xf32, #tpu.memory_space<vmem_shared>> -> memref<128x128xf32, #tpu.memory_space<vmem_shared>>
      %dma_wait3A_60 = arith.constant 0 : i32
      %dma_wait3A_61 = tpu.memref_slice %arg10[%add3A_22, %dma_wait3A_60] : memref<10240x128xf32, #tpu.memory_space<vmem_shared>> -> memref<128x128xf32, #tpu.memory_space<vmem_shared>>
      tpu.wait_dma2 semaphore(%run_scoped3A : memref<!tpu.dma_semaphore, #tpu.memory_space<semaphore_mem>>) src(%dma_wait3A_61 : memref<128x128xf32, #tpu.memory_space<vmem_shared>>) dst(%arg9 : memref<128x128xf32, #tpu.memory_space<vmem>>)
      tpu.yield
    }) : () -> ()
    %mul3A_23 = arith.constant 10240 : i32
    %mul3A_24 = arith.muli %arg0, %mul3A_23 : i32
    %add3A_25 = arith.addi %mul3A_24, %mul3A_2 : i32
    %add3A_26 = arith.constant 0 : i32
    %add3A_27 = arith.addi %add3A_25, %add3A_26 : i32
    "tpu.region"() ({
      %run_scoped3A = tpu.sem_alloc : memref<!tpu.dma_semaphore, #tpu.memory_space<semaphore_mem>>
      %dma_start3A = arith.constant 0 : i32
      %dma_start3A_56 = tpu.memref_slice %arg6[%add3A_27, %dma_start3A] : memref<20480x128xf32, #tpu.memory_space<hbm>> -> memref<128x128xf32, #tpu.memory_space<hbm>>
      %dma_start3A_57 = arith.constant 0 : i32
      %dma_start3A_58 = tpu.memref_slice %arg6[%add3A_27, %dma_start3A_57] : memref<20480x128xf32, #tpu.memory_space<hbm>> -> memref<128x128xf32, #tpu.memory_space<hbm>>
      tpu.enqueue_dma source(%arg9 : memref<128x128xf32, #tpu.memory_space<vmem>>) target(%dma_start3A_58 : memref<128x128xf32, #tpu.memory_space<hbm>>) target_semaphore(%run_scoped3A : memref<!tpu.dma_semaphore, #tpu.memory_space<semaphore_mem>>)
      %dma_wait3A = arith.constant 0 : i32
      %dma_wait3A_59 = tpu.memref_slice %arg6[%add3A_27, %dma_wait3A] : memref<20480x128xf32, #tpu.memory_space<hbm>> -> memref<128x128xf32, #tpu.memory_space<hbm>>
      %dma_wait3A_60 = arith.constant 0 : i32
      %dma_wait3A_61 = tpu.memref_slice %arg6[%add3A_27, %dma_wait3A_60] : memref<20480x128xf32, #tpu.memory_space<hbm>> -> memref<128x128xf32, #tpu.memory_space<hbm>>
      tpu.wait_dma2 semaphore(%run_scoped3A : memref<!tpu.dma_semaphore, #tpu.memory_space<semaphore_mem>>) src(%arg9 : memref<128x128xf32, #tpu.memory_space<vmem>>) dst(%dma_wait3A_61 : memref<128x128xf32, #tpu.memory_space<hbm>>)
      tpu.yield
    }) : () -> ()
    %add3A_28 = arith.constant 128 : i32
    %add3A_29 = arith.addi %mul3A_2, %add3A_28 : i32
    "tpu.region"() ({
      %run_scoped3A = tpu.sem_alloc : memref<!tpu.dma_semaphore, #tpu.memory_space<semaphore_mem>>
      %dma_start3A = arith.constant 0 : i32
      %dma_start3A_56 = tpu.memref_slice %arg10[%add3A_29, %dma_start3A] : memref<10240x128xf32, #tpu.memory_space<vmem_shared>> -> memref<128x128xf32, #tpu.memory_space<vmem_shared>>
      %dma_start3A_57 = arith.constant 0 : i32
      %dma_start3A_58 = tpu.memref_slice %arg10[%add3A_29, %dma_start3A_57] : memref<10240x128xf32, #tpu.memory_space<vmem_shared>> -> memref<128x128xf32, #tpu.memory_space<vmem_shared>>
      tpu.enqueue_dma source(%dma_start3A_58 : memref<128x128xf32, #tpu.memory_space<vmem_shared>>) target(%arg9 : memref<128x128xf32, #tpu.memory_space<vmem>>) target_semaphore(%run_scoped3A : memref<!tpu.dma_semaphore, #tpu.memory_space<semaphore_mem>>)
      %dma_wait3A = arith.constant 0 : i32
      %dma_wait3A_59 = tpu.memref_slice %arg10[%add3A_29, %dma_wait3A] : memref<10240x128xf32, #tpu.memory_space<vmem_shared>> -> memref<128x128xf32, #tpu.memory_space<vmem_shared>>
      %dma_wait3A_60 = arith.constant 0 : i32
      %dma_wait3A_61 = tpu.memref_slice %arg10[%add3A_29, %dma_wait3A_60] : memref<10240x128xf32, #tpu.memory_space<vmem_shared>> -> memref<128x128xf32, #tpu.memory_space<vmem_shared>>
      tpu.wait_dma2 semaphore(%run_scoped3A : memref<!tpu.dma_semaphore, #tpu.memory_space<semaphore_mem>>) src(%dma_wait3A_61 : memref<128x128xf32, #tpu.memory_space<vmem_shared>>) dst(%arg9 : memref<128x128xf32, #tpu.memory_space<vmem>>)
      tpu.yield
    }) : () -> ()
    %mul3A_30 = arith.constant 10240 : i32
    %mul3A_31 = arith.muli %arg0, %mul3A_30 : i32
    %add3A_32 = arith.addi %mul3A_31, %mul3A_2 : i32
    %add3A_33 = arith.constant 128 : i32
    %add3A_34 = arith.addi %add3A_32, %add3A_33 : i32
    "tpu.region"() ({
      %run_scoped3A = tpu.sem_alloc : memref<!tpu.dma_semaphore, #tpu.memory_space<semaphore_mem>>
      %dma_start3A = arith.constant 0 : i32
      %dma_start3A_56 = tpu.memref_slice %arg6[%add3A_34, %dma_start3A] : memref<20480x128xf32, #tpu.memory_space<hbm>> -> memref<128x128xf32, #tpu.memory_space<hbm>>
      %dma_start3A_57 = arith.constant 0 : i32
      %dma_start3A_58 = tpu.memref_slice %arg6[%add3A_34, %dma_start3A_57] : memref<20480x128xf32, #tpu.memory_space<hbm>> -> memref<128x128xf32, #tpu.memory_space<hbm>>
      tpu.enqueue_dma source(%arg9 : memref<128x128xf32, #tpu.memory_space<vmem>>) target(%dma_start3A_58 : memref<128x128xf32, #tpu.memory_space<hbm>>) target_semaphore(%run_scoped3A : memref<!tpu.dma_semaphore, #tpu.memory_space<semaphore_mem>>)
      %dma_wait3A = arith.constant 0 : i32
      %dma_wait3A_59 = tpu.memref_slice %arg6[%add3A_34, %dma_wait3A] : memref<20480x128xf32, #tpu.memory_space<hbm>> -> memref<128x128xf32, #tpu.memory_space<hbm>>
      %dma_wait3A_60 = arith.constant 0 : i32
      %dma_wait3A_61 = tpu.memref_slice %arg6[%add3A_34, %dma_wait3A_60] : memref<20480x128xf32, #tpu.memory_space<hbm>> -> memref<128x128xf32, #tpu.memory_space<hbm>>
      tpu.wait_dma2 semaphore(%run_scoped3A : memref<!tpu.dma_semaphore, #tpu.memory_space<semaphore_mem>>) src(%arg9 : memref<128x128xf32, #tpu.memory_space<vmem>>) dst(%dma_wait3A_61 : memref<128x128xf32, #tpu.memory_space<hbm>>)
      tpu.yield
    }) : () -> ()
    %add3A_35 = arith.constant 256 : i32
    %add3A_36 = arith.addi %mul3A_2, %add3A_35 : i32
    "tpu.region"() ({
      %run_scoped3A = tpu.sem_alloc : memref<!tpu.dma_semaphore, #tpu.memory_space<semaphore_mem>>
      %dma_start3A = arith.constant 0 : i32
      %dma_start3A_56 = tpu.memref_slice %arg10[%add3A_36, %dma_start3A] : memref<10240x128xf32, #tpu.memory_space<vmem_shared>> -> memref<128x128xf32, #tpu.memory_space<vmem_shared>>
      %dma_start3A_57 = arith.constant 0 : i32
      %dma_start3A_58 = tpu.memref_slice %arg10[%add3A_36, %dma_start3A_57] : memref<10240x128xf32, #tpu.memory_space<vmem_shared>> -> memref<128x128xf32, #tpu.memory_space<vmem_shared>>
      tpu.enqueue_dma source(%dma_start3A_58 : memref<128x128xf32, #tpu.memory_space<vmem_shared>>) target(%arg9 : memref<128x128xf32, #tpu.memory_space<vmem>>) target_semaphore(%run_scoped3A : memref<!tpu.dma_semaphore, #tpu.memory_space<semaphore_mem>>)
      %dma_wait3A = arith.constant 0 : i32
      %dma_wait3A_59 = tpu.memref_slice %arg10[%add3A_36, %dma_wait3A] : memref<10240x128xf32, #tpu.memory_space<vmem_shared>> -> memref<128x128xf32, #tpu.memory_space<vmem_shared>>
      %dma_wait3A_60 = arith.constant 0 : i32
      %dma_wait3A_61 = tpu.memref_slice %arg10[%add3A_36, %dma_wait3A_60] : memref<10240x128xf32, #tpu.memory_space<vmem_shared>> -> memref<128x128xf32, #tpu.memory_space<vmem_shared>>
      tpu.wait_dma2 semaphore(%run_scoped3A : memref<!tpu.dma_semaphore, #tpu.memory_space<semaphore_mem>>) src(%dma_wait3A_61 : memref<128x128xf32, #tpu.memory_space<vmem_shared>>) dst(%arg9 : memref<128x128xf32, #tpu.memory_space<vmem>>)
      tpu.yield
    }) : () -> ()
    %mul3A_37 = arith.constant 10240 : i32
    %mul3A_38 = arith.muli %arg0, %mul3A_37 : i32
    %add3A_39 = arith.addi %mul3A_38, %mul3A_2 : i32
    %add3A_40 = arith.constant 256 : i32
    %add3A_41 = arith.addi %add3A_39, %add3A_40 : i32
    "tpu.region"() ({
      %run_scoped3A = tpu.sem_alloc : memref<!tpu.dma_semaphore, #tpu.memory_space<semaphore_mem>>
      %dma_start3A = arith.constant 0 : i32
      %dma_start3A_56 = tpu.memref_slice %arg6[%add3A_41, %dma_start3A] : memref<20480x128xf32, #tpu.memory_space<hbm>> -> memref<128x128xf32, #tpu.memory_space<hbm>>
      %dma_start3A_57 = arith.constant 0 : i32
      %dma_start3A_58 = tpu.memref_slice %arg6[%add3A_41, %dma_start3A_57] : memref<20480x128xf32, #tpu.memory_space<hbm>> -> memref<128x128xf32, #tpu.memory_space<hbm>>
      tpu.enqueue_dma source(%arg9 : memref<128x128xf32, #tpu.memory_space<vmem>>) target(%dma_start3A_58 : memref<128x128xf32, #tpu.memory_space<hbm>>) target_semaphore(%run_scoped3A : memref<!tpu.dma_semaphore, #tpu.memory_space<semaphore_mem>>)
      %dma_wait3A = arith.constant 0 : i32
      %dma_wait3A_59 = tpu.memref_slice %arg6[%add3A_41, %dma_wait3A] : memref<20480x128xf32, #tpu.memory_space<hbm>> -> memref<128x128xf32, #tpu.memory_space<hbm>>
      %dma_wait3A_60 = arith.constant 0 : i32
      %dma_wait3A_61 = tpu.memref_slice %arg6[%add3A_41, %dma_wait3A_60] : memref<20480x128xf32, #tpu.memory_space<hbm>> -> memref<128x128xf32, #tpu.memory_space<hbm>>
      tpu.wait_dma2 semaphore(%run_scoped3A : memref<!tpu.dma_semaphore, #tpu.memory_space<semaphore_mem>>) src(%arg9 : memref<128x128xf32, #tpu.memory_space<vmem>>) dst(%dma_wait3A_61 : memref<128x128xf32, #tpu.memory_space<hbm>>)
      tpu.yield
    }) : () -> ()
    %add3A_42 = arith.constant 384 : i32
    %add3A_43 = arith.addi %mul3A_2, %add3A_42 : i32
    "tpu.region"() ({
      %run_scoped3A = tpu.sem_alloc : memref<!tpu.dma_semaphore, #tpu.memory_space<semaphore_mem>>
      %dma_start3A = arith.constant 0 : i32
      %dma_start3A_56 = tpu.memref_slice %arg10[%add3A_43, %dma_start3A] : memref<10240x128xf32, #tpu.memory_space<vmem_shared>> -> memref<128x128xf32, #tpu.memory_space<vmem_shared>>
      %dma_start3A_57 = arith.constant 0 : i32
      %dma_start3A_58 = tpu.memref_slice %arg10[%add3A_43, %dma_start3A_57] : memref<10240x128xf32, #tpu.memory_space<vmem_shared>> -> memref<128x128xf32, #tpu.memory_space<vmem_shared>>
      tpu.enqueue_dma source(%dma_start3A_58 : memref<128x128xf32, #tpu.memory_space<vmem_shared>>) target(%arg9 : memref<128x128xf32, #tpu.memory_space<vmem>>) target_semaphore(%run_scoped3A : memref<!tpu.dma_semaphore, #tpu.memory_space<semaphore_mem>>)
      %dma_wait3A = arith.constant 0 : i32
      %dma_wait3A_59 = tpu.memref_slice %arg10[%add3A_43, %dma_wait3A] : memref<10240x128xf32, #tpu.memory_space<vmem_shared>> -> memref<128x128xf32, #tpu.memory_space<vmem_shared>>
      %dma_wait3A_60 = arith.constant 0 : i32
      %dma_wait3A_61 = tpu.memref_slice %arg10[%add3A_43, %dma_wait3A_60] : memref<10240x128xf32, #tpu.memory_space<vmem_shared>> -> memref<128x128xf32, #tpu.memory_space<vmem_shared>>
      tpu.wait_dma2 semaphore(%run_scoped3A : memref<!tpu.dma_semaphore, #tpu.memory_space<semaphore_mem>>) src(%dma_wait3A_61 : memref<128x128xf32, #tpu.memory_space<vmem_shared>>) dst(%arg9 : memref<128x128xf32, #tpu.memory_space<vmem>>)
      tpu.yield
    }) : () -> ()
    %mul3A_44 = arith.constant 10240 : i32
    %mul3A_45 = arith.muli %arg0, %mul3A_44 : i32
    %add3A_46 = arith.addi %mul3A_45, %mul3A_2 : i32
    %add3A_47 = arith.constant 384 : i32
    %add3A_48 = arith.addi %add3A_46, %add3A_47 : i32
    "tpu.region"() ({
      %run_scoped3A = tpu.sem_alloc : memref<!tpu.dma_semaphore, #tpu.memory_space<semaphore_mem>>
      %dma_start3A = arith.constant 0 : i32
      %dma_start3A_56 = tpu.memref_slice %arg6[%add3A_48, %dma_start3A] : memref<20480x128xf32, #tpu.memory_space<hbm>> -> memref<128x128xf32, #tpu.memory_space<hbm>>
      %dma_start3A_57 = arith.constant 0 : i32
      %dma_start3A_58 = tpu.memref_slice %arg6[%add3A_48, %dma_start3A_57] : memref<20480x128xf32, #tpu.memory_space<hbm>> -> memref<128x128xf32, #tpu.memory_space<hbm>>
      tpu.enqueue_dma source(%arg9 : memref<128x128xf32, #tpu.memory_space<vmem>>) target(%dma_start3A_58 : memref<128x128xf32, #tpu.memory_space<hbm>>) target_semaphore(%run_scoped3A : memref<!tpu.dma_semaphore, #tpu.memory_space<semaphore_mem>>)
      %dma_wait3A = arith.constant 0 : i32
      %dma_wait3A_59 = tpu.memref_slice %arg6[%add3A_48, %dma_wait3A] : memref<20480x128xf32, #tpu.memory_space<hbm>> -> memref<128x128xf32, #tpu.memory_space<hbm>>
      %dma_wait3A_60 = arith.constant 0 : i32
      %dma_wait3A_61 = tpu.memref_slice %arg6[%add3A_48, %dma_wait3A_60] : memref<20480x128xf32, #tpu.memory_space<hbm>> -> memref<128x128xf32, #tpu.memory_space<hbm>>
      tpu.wait_dma2 semaphore(%run_scoped3A : memref<!tpu.dma_semaphore, #tpu.memory_space<semaphore_mem>>) src(%arg9 : memref<128x128xf32, #tpu.memory_space<vmem>>) dst(%dma_wait3A_61 : memref<128x128xf32, #tpu.memory_space<hbm>>)
      tpu.yield
    }) : () -> ()
    %add3A_49 = arith.constant 512 : i32
    %add3A_50 = arith.addi %mul3A_2, %add3A_49 : i32
    "tpu.region"() ({
      %run_scoped3A = tpu.sem_alloc : memref<!tpu.dma_semaphore, #tpu.memory_space<semaphore_mem>>
      %dma_start3A = arith.constant 0 : i32
      %dma_start3A_56 = tpu.memref_slice %arg10[%add3A_50, %dma_start3A] : memref<10240x128xf32, #tpu.memory_space<vmem_shared>> -> memref<128x128xf32, #tpu.memory_space<vmem_shared>>
      %dma_start3A_57 = arith.constant 0 : i32
      %dma_start3A_58 = tpu.memref_slice %arg10[%add3A_50, %dma_start3A_57] : memref<10240x128xf32, #tpu.memory_space<vmem_shared>> -> memref<128x128xf32, #tpu.memory_space<vmem_shared>>
      tpu.enqueue_dma source(%dma_start3A_58 : memref<128x128xf32, #tpu.memory_space<vmem_shared>>) target(%arg9 : memref<128x128xf32, #tpu.memory_space<vmem>>) target_semaphore(%run_scoped3A : memref<!tpu.dma_semaphore, #tpu.memory_space<semaphore_mem>>)
      %dma_wait3A = arith.constant 0 : i32
      %dma_wait3A_59 = tpu.memref_slice %arg10[%add3A_50, %dma_wait3A] : memref<10240x128xf32, #tpu.memory_space<vmem_shared>> -> memref<128x128xf32, #tpu.memory_space<vmem_shared>>
      %dma_wait3A_60 = arith.constant 0 : i32
      %dma_wait3A_61 = tpu.memref_slice %arg10[%add3A_50, %dma_wait3A_60] : memref<10240x128xf32, #tpu.memory_space<vmem_shared>> -> memref<128x128xf32, #tpu.memory_space<vmem_shared>>
      tpu.wait_dma2 semaphore(%run_scoped3A : memref<!tpu.dma_semaphore, #tpu.memory_space<semaphore_mem>>) src(%dma_wait3A_61 : memref<128x128xf32, #tpu.memory_space<vmem_shared>>) dst(%arg9 : memref<128x128xf32, #tpu.memory_space<vmem>>)
      tpu.yield
    }) : () -> ()
    %mul3A_51 = arith.constant 10240 : i32
    %mul3A_52 = arith.muli %arg0, %mul3A_51 : i32
    %add3A_53 = arith.addi %mul3A_52, %mul3A_2 : i32
    %add3A_54 = arith.constant 512 : i32
    %add3A_55 = arith.addi %add3A_53, %add3A_54 : i32
    "tpu.region"() ({
      %run_scoped3A = tpu.sem_alloc : memref<!tpu.dma_semaphore, #tpu.memory_space<semaphore_mem>>
      %dma_start3A = arith.constant 0 : i32
      %dma_start3A_56 = tpu.memref_slice %arg6[%add3A_55, %dma_start3A] : memref<20480x128xf32, #tpu.memory_space<hbm>> -> memref<128x128xf32, #tpu.memory_space<hbm>>
      %dma_start3A_57 = arith.constant 0 : i32
      %dma_start3A_58 = tpu.memref_slice %arg6[%add3A_55, %dma_start3A_57] : memref<20480x128xf32, #tpu.memory_space<hbm>> -> memref<128x128xf32, #tpu.memory_space<hbm>>
      tpu.enqueue_dma source(%arg9 : memref<128x128xf32, #tpu.memory_space<vmem>>) target(%dma_start3A_58 : memref<128x128xf32, #tpu.memory_space<hbm>>) target_semaphore(%run_scoped3A : memref<!tpu.dma_semaphore, #tpu.memory_space<semaphore_mem>>)
      %dma_wait3A = arith.constant 0 : i32
      %dma_wait3A_59 = tpu.memref_slice %arg6[%add3A_55, %dma_wait3A] : memref<20480x128xf32, #tpu.memory_space<hbm>> -> memref<128x128xf32, #tpu.memory_space<hbm>>
      %dma_wait3A_60 = arith.constant 0 : i32
      %dma_wait3A_61 = tpu.memref_slice %arg6[%add3A_55, %dma_wait3A_60] : memref<20480x128xf32, #tpu.memory_space<hbm>> -> memref<128x128xf32, #tpu.memory_space<hbm>>
      tpu.wait_dma2 semaphore(%run_scoped3A : memref<!tpu.dma_semaphore, #tpu.memory_space<semaphore_mem>>) src(%arg9 : memref<128x128xf32, #tpu.memory_space<vmem>>) dst(%dma_wait3A_61 : memref<128x128xf32, #tpu.memory_space<hbm>>)
      tpu.yield
    }) : () -> ()
    return
  }
}

module attributes {stable_mosaic.version = 14 : i64} {
  func.func @_tc_layer1_body(%arg0: i32, %arg1: memref<640x128xf32, #tpu.memory_space<vmem>>, %arg2: memref<640x128xf32, #tpu.memory_space<vmem>>, %arg3: memref<640x128xf32, #tpu.memory_space<vmem>>, %arg4: memref<640x128xf32, #tpu.memory_space<vmem>>, %arg5: memref<640x128xf32, #tpu.memory_space<vmem>>, %arg6: memref<128x128xf32, #tpu.memory_space<vmem>>, %arg7: memref<128x128xf32, #tpu.memory_space<vmem>>, %arg8: memref<1x128xf32, #tpu.memory_space<vmem>>, %arg9: memref<1x128xf32, #tpu.memory_space<vmem>>, %arg10: memref<1x128xf32, #tpu.memory_space<vmem>>, %arg11: memref<640x128xf32, #tpu.memory_space<vmem>>) attributes {dimension_semantics = [#tpu.dimension_semantics<arbitrary>], iteration_bounds = array<i64: 16>, scalar_prefetch = 0 : i64, scratch_operands = 0 : i64, tpu.core_type = #tpu.core_type<tc>, window_params = [{transform_indices = @transform_0, window_bounds = array<i64: 640, 128>}, {transform_indices = @transform_1, window_bounds = array<i64: 640, 128>}, {transform_indices = @transform_2, window_bounds = array<i64: 640, 128>}, {transform_indices = @transform_3, window_bounds = array<i64: 640, 128>}, {transform_indices = @transform_4, window_bounds = array<i64: 640, 128>}, {pipeline_mode = #tpu.pipeline_mode<synchronous>, transform_indices = @transform_5, window_bounds = array<i64: 128, 128>}, {pipeline_mode = #tpu.pipeline_mode<synchronous>, transform_indices = @transform_6, window_bounds = array<i64: 128, 128>}, {pipeline_mode = #tpu.pipeline_mode<synchronous>, transform_indices = @transform_7, window_bounds = array<i64: 1, 128>}, {pipeline_mode = #tpu.pipeline_mode<synchronous>, transform_indices = @transform_8, window_bounds = array<i64: 1, 128>}, {pipeline_mode = #tpu.pipeline_mode<synchronous>, transform_indices = @transform_9, window_bounds = array<i64: 1, 128>}, {transform_indices = @transform_10, window_bounds = array<i64: 640, 128>}]} {
    %get3A = arith.constant 0 : index
    %get3A_0 = arith.constant 0 : index
    %get3A_1 = vector.load %arg1[%get3A, %get3A_0] : memref<640x128xf32, #tpu.memory_space<vmem>>, vector<640x128xf32>
    %get3A_2 = arith.constant 0 : index
    %get3A_3 = arith.constant 0 : index
    %get3A_4 = vector.load %arg4[%get3A_2, %get3A_3] : memref<640x128xf32, #tpu.memory_space<vmem>>, vector<640x1xf32>
    %get3A_5 = arith.constant 0 : index
    %get3A_6 = arith.constant 0 : index
    %get3A_7 = vector.load %arg5[%get3A_5, %get3A_6] : memref<640x128xf32, #tpu.memory_space<vmem>>, vector<640x1xf32>
    %add3A = arith.addf %get3A_4, %get3A_7 : vector<640x1xf32>
    %add3A_8 = arith.constant 1.000000e+00 : f32
    %add3A_9 = vector.broadcast %add3A_8 : f32 to vector<640x1xf32>
    %add3A_10 = arith.addf %add3A, %add3A_9 : vector<640x1xf32>
    %get3A_11 = arith.constant 0 : index
    %get3A_12 = arith.constant 0 : index
    %get3A_13 = vector.load %arg2[%get3A_11, %get3A_12] : memref<640x128xf32, #tpu.memory_space<vmem>>, vector<640x128xf32>
    %get3A_14 = arith.constant 0 : index
    %get3A_15 = arith.constant 0 : index
    %get3A_16 = vector.load %arg3[%get3A_14, %get3A_15] : memref<640x128xf32, #tpu.memory_space<vmem>>, vector<640x128xf32>
    %add3A_17 = arith.addf %get3A_13, %get3A_16 : vector<640x128xf32>
    %add3A_18 = arith.addf %add3A_17, %get3A_1 : vector<640x128xf32>
    %div3A = vector.broadcast %add3A_10 : vector<640x1xf32> to vector<640x128xf32>
    %div3A_19 = arith.divf %add3A_18, %div3A : vector<640x128xf32>
    %get3A_20 = arith.constant 0 : index
    %get3A_21 = arith.constant 0 : index
    %get3A_22 = vector.load %arg6[%get3A_20, %get3A_21] : memref<128x128xf32, #tpu.memory_space<vmem>>, vector<128x128xf32>
    %dot_general3A = arith.constant dense<0.000000e+00> : vector<640x128xf32>
    %dot_general3A_23 = tpu.matmul %div3A_19, %get3A_22, %dot_general3A {dimension_numbers = #tpu.dot_dimension_numbers<[1], [1], [0], [0], [0, 0, 1, 0], [], []>, transpose_lhs_hint = false} : vector<640x128xf32>, vector<128x128xf32>, vector<640x128xf32> -> vector<640x128xf32>
    %get3A_24 = arith.constant 0 : index
    %get3A_25 = arith.constant 0 : index
    %get3A_26 = vector.load %arg7[%get3A_24, %get3A_25] : memref<128x128xf32, #tpu.memory_space<vmem>>, vector<128x128xf32>
    %dot_general3A_27 = arith.constant dense<0.000000e+00> : vector<640x128xf32>
    %dot_general3A_28 = tpu.matmul %get3A_1, %get3A_26, %dot_general3A_27 {dimension_numbers = #tpu.dot_dimension_numbers<[1], [1], [0], [0], [0, 0, 1, 0], [], []>, transpose_lhs_hint = false} : vector<640x128xf32>, vector<128x128xf32>, vector<640x128xf32> -> vector<640x128xf32>
    %add3A_29 = arith.addf %dot_general3A_23, %dot_general3A_28 : vector<640x128xf32>
    %get3A_30 = arith.constant 0 : index
    %get3A_31 = arith.constant 0 : index
    %get3A_32 = vector.load %arg8[%get3A_30, %get3A_31] : memref<1x128xf32, #tpu.memory_space<vmem>>, vector<1x128xf32>
    %add3A_33 = vector.broadcast %get3A_32 : vector<1x128xf32> to vector<640x128xf32>
    %add3A_34 = arith.addf %add3A_29, %add3A_33 : vector<640x128xf32>
    %max3A = arith.constant 0.000000e+00 : f32
    %max3A_35 = vector.broadcast %max3A : f32 to vector<640x128xf32>
    %max3A_36 = arith.maximumf %add3A_34, %max3A_35 : vector<640x128xf32>
    %reduce_sum3A = arith.constant dense<0.000000e+00> : vector<640xf32>
    %reduce_sum3A_37 = vector.multi_reduction <add>, %max3A_36, %reduce_sum3A [1] : vector<640x128xf32> to vector<640xf32>
    %broadcast_in_dim3A = vector.shape_cast %reduce_sum3A_37 : vector<640xf32> to vector<640x1xf32>
    %div3A_38 = arith.constant 1.280000e+02 : f32
    %div3A_39 = vector.broadcast %div3A_38 : f32 to vector<640x1xf32>
    %div3A_40 = arith.divf %broadcast_in_dim3A, %div3A_39 : vector<640x1xf32>
    %sub3A = vector.broadcast %div3A_40 : vector<640x1xf32> to vector<640x128xf32>
    %sub3A_41 = arith.subf %max3A_36, %sub3A : vector<640x128xf32>
    %sub3A_42 = vector.broadcast %div3A_40 : vector<640x1xf32> to vector<640x128xf32>
    %sub3A_43 = arith.subf %max3A_36, %sub3A_42 : vector<640x128xf32>
    %mul3A = arith.mulf %sub3A_41, %sub3A_43 : vector<640x128xf32>
    %reduce_sum3A_44 = arith.constant dense<0.000000e+00> : vector<640xf32>
    %reduce_sum3A_45 = vector.multi_reduction <add>, %mul3A, %reduce_sum3A_44 [1] : vector<640x128xf32> to vector<640xf32>
    %broadcast_in_dim3A_46 = vector.shape_cast %reduce_sum3A_45 : vector<640xf32> to vector<640x1xf32>
    %div3A_47 = arith.constant 1.280000e+02 : f32
    %div3A_48 = vector.broadcast %div3A_47 : f32 to vector<640x1xf32>
    %div3A_49 = arith.divf %broadcast_in_dim3A_46, %div3A_48 : vector<640x1xf32>
    %sub3A_50 = vector.broadcast %div3A_40 : vector<640x1xf32> to vector<640x128xf32>
    %sub3A_51 = arith.subf %max3A_36, %sub3A_50 : vector<640x128xf32>
    %add3A_52 = arith.constant 9.99999974E-6 : f32
    %add3A_53 = vector.broadcast %add3A_52 : f32 to vector<640x1xf32>
    %add3A_54 = arith.addf %div3A_49, %add3A_53 : vector<640x1xf32>
    %rsqrt3A = math.rsqrt %add3A_54 : vector<640x1xf32>
    %mul3A_55 = vector.broadcast %rsqrt3A : vector<640x1xf32> to vector<640x128xf32>
    %mul3A_56 = arith.mulf %sub3A_51, %mul3A_55 : vector<640x128xf32>
    %get3A_57 = arith.constant 0 : index
    %get3A_58 = arith.constant 0 : index
    %get3A_59 = vector.load %arg9[%get3A_57, %get3A_58] : memref<1x128xf32, #tpu.memory_space<vmem>>, vector<1x128xf32>
    %mul3A_60 = vector.broadcast %get3A_59 : vector<1x128xf32> to vector<640x128xf32>
    %mul3A_61 = arith.mulf %mul3A_56, %mul3A_60 : vector<640x128xf32>
    %get3A_62 = arith.constant 0 : index
    %get3A_63 = arith.constant 0 : index
    %get3A_64 = vector.load %arg10[%get3A_62, %get3A_63] : memref<1x128xf32, #tpu.memory_space<vmem>>, vector<1x128xf32>
    %add3A_65 = vector.broadcast %get3A_64 : vector<1x128xf32> to vector<640x128xf32>
    %add3A_66 = arith.addf %mul3A_61, %add3A_65 : vector<640x128xf32>
    %swap3A = arith.constant 0 : index
    %swap3A_67 = arith.constant 0 : index
    %swap3A_68 = vector.load %arg11[%swap3A, %swap3A_67] : memref<640x128xf32, #tpu.memory_space<vmem>>, vector<640x128xf32>
    tpu.vector_store %arg11[%swap3A, %swap3A_67], %add3A_66 {strides = array<i32>} : memref<640x128xf32, #tpu.memory_space<vmem>>, vector<640x128xf32>,
    return
  }
  func.func @transform_0(%arg0: i32) -> (i32, i32) {
    %add3A = arith.constant 0 : i32
    %add3A_0 = arith.addi %arg0, %add3A : i32
    %c0_i32 = arith.constant 0 : i32
    %c0_i32_1 = arith.constant 0 : i32
    return %add3A_0, %c0_i32 : i32, i32
  }
  func.func @transform_1(%arg0: i32) -> (i32, i32) {
    %add3A = arith.constant 0 : i32
    %add3A_0 = arith.addi %arg0, %add3A : i32
    %c0_i32 = arith.constant 0 : i32
    %c0_i32_1 = arith.constant 0 : i32
    return %add3A_0, %c0_i32 : i32, i32
  }
  func.func @transform_2(%arg0: i32) -> (i32, i32) {
    %add3A = arith.constant 16 : i32
    %add3A_0 = arith.addi %arg0, %add3A : i32
    %c0_i32 = arith.constant 0 : i32
    %c0_i32_1 = arith.constant 0 : i32
    return %add3A_0, %c0_i32 : i32, i32
  }
  func.func @transform_3(%arg0: i32) -> (i32, i32) {
    %add3A = arith.constant 0 : i32
    %add3A_0 = arith.addi %arg0, %add3A : i32
    %c0_i32 = arith.constant 0 : i32
    %c0_i32_1 = arith.constant 0 : i32
    return %add3A_0, %c0_i32 : i32, i32
  }
  func.func @transform_4(%arg0: i32) -> (i32, i32) {
    %add3A = arith.constant 16 : i32
    %add3A_0 = arith.addi %arg0, %add3A : i32
    %c0_i32 = arith.constant 0 : i32
    %c0_i32_1 = arith.constant 0 : i32
    return %add3A_0, %c0_i32 : i32, i32
  }
  func.func @transform_5(%arg0: i32) -> (i32, i32) {
    %c0_i32 = arith.constant 0 : i32
    %c0_i32_0 = arith.constant 0 : i32
    %c0_i32_1 = arith.constant 0 : i32
    return %c0_i32, %c0_i32_0 : i32, i32
  }
  func.func @transform_6(%arg0: i32) -> (i32, i32) {
    %c0_i32 = arith.constant 0 : i32
    %c0_i32_0 = arith.constant 0 : i32
    %c0_i32_1 = arith.constant 0 : i32
    return %c0_i32, %c0_i32_0 : i32, i32
  }
  func.func @transform_7(%arg0: i32) -> (i32, i32) {
    %c0_i32 = arith.constant 0 : i32
    %c0_i32_0 = arith.constant 0 : i32
    %c0_i32_1 = arith.constant 0 : i32
    return %c0_i32, %c0_i32_0 : i32, i32
  }
  func.func @transform_8(%arg0: i32) -> (i32, i32) {
    %c0_i32 = arith.constant 0 : i32
    %c0_i32_0 = arith.constant 0 : i32
    %c0_i32_1 = arith.constant 0 : i32
    return %c0_i32, %c0_i32_0 : i32, i32
  }
  func.func @transform_9(%arg0: i32) -> (i32, i32) {
    %c0_i32 = arith.constant 0 : i32
    %c0_i32_0 = arith.constant 0 : i32
    %c0_i32_1 = arith.constant 0 : i32
    return %c0_i32, %c0_i32_0 : i32, i32
  }
  func.func @transform_10(%arg0: i32) -> (i32, i32) {
    %add3A = arith.constant 0 : i32
    %add3A_0 = arith.addi %arg0, %add3A : i32
    %c0_i32 = arith.constant 0 : i32
    %c0_i32_1 = arith.constant 0 : i32
    return %add3A_0, %c0_i32 : i32, i32
  }
}

module attributes {stable_mosaic.version = 14 : i64} {
  func.func @_tc_layer2_body(%arg0: i32, %arg1: memref<640x128xf32, #tpu.memory_space<vmem>>, %arg2: memref<640x128xf32, #tpu.memory_space<vmem>>, %arg3: memref<640x128xf32, #tpu.memory_space<vmem>>, %arg4: memref<640x128xf32, #tpu.memory_space<vmem>>, %arg5: memref<640x128xf32, #tpu.memory_space<vmem>>, %arg6: memref<128x128xf32, #tpu.memory_space<vmem>>, %arg7: memref<128x128xf32, #tpu.memory_space<vmem>>, %arg8: memref<1x128xf32, #tpu.memory_space<vmem>>, %arg9: memref<1x128xf32, #tpu.memory_space<vmem>>, %arg10: memref<1x128xf32, #tpu.memory_space<vmem>>, %arg11: memref<128x128xf32, #tpu.memory_space<vmem>>, %arg12: memref<1x128xf32, #tpu.memory_space<vmem>>, %arg13: memref<640x128xf32, #tpu.memory_space<vmem>>) attributes {dimension_semantics = [#tpu.dimension_semantics<arbitrary>], iteration_bounds = array<i64: 16>, scalar_prefetch = 0 : i64, scratch_operands = 0 : i64, tpu.core_type = #tpu.core_type<tc>, window_params = [{transform_indices = @transform_0, window_bounds = array<i64: 640, 128>}, {transform_indices = @transform_1, window_bounds = array<i64: 640, 128>}, {transform_indices = @transform_2, window_bounds = array<i64: 640, 128>}, {transform_indices = @transform_3, window_bounds = array<i64: 640, 128>}, {transform_indices = @transform_4, window_bounds = array<i64: 640, 128>}, {pipeline_mode = #tpu.pipeline_mode<synchronous>, transform_indices = @transform_5, window_bounds = array<i64: 128, 128>}, {pipeline_mode = #tpu.pipeline_mode<synchronous>, transform_indices = @transform_6, window_bounds = array<i64: 128, 128>}, {pipeline_mode = #tpu.pipeline_mode<synchronous>, transform_indices = @transform_7, window_bounds = array<i64: 1, 128>}, {pipeline_mode = #tpu.pipeline_mode<synchronous>, transform_indices = @transform_8, window_bounds = array<i64: 1, 128>}, {pipeline_mode = #tpu.pipeline_mode<synchronous>, transform_indices = @transform_9, window_bounds = array<i64: 1, 128>}, {pipeline_mode = #tpu.pipeline_mode<synchronous>, transform_indices = @transform_10, window_bounds = array<i64: 128, 128>}, {pipeline_mode = #tpu.pipeline_mode<synchronous>, transform_indices = @transform_11, window_bounds = array<i64: 1, 128>}, {transform_indices = @transform_12, window_bounds = array<i64: 640, 128>}]} {
    %get3A = arith.constant 0 : index
    %get3A_0 = arith.constant 0 : index
    %get3A_1 = vector.load %arg1[%get3A, %get3A_0] : memref<640x128xf32, #tpu.memory_space<vmem>>, vector<640x128xf32>
    %get3A_2 = arith.constant 0 : index
    %get3A_3 = arith.constant 0 : index
    %get3A_4 = vector.load %arg4[%get3A_2, %get3A_3] : memref<640x128xf32, #tpu.memory_space<vmem>>, vector<640x1xf32>
    %get3A_5 = arith.constant 0 : index
    %get3A_6 = arith.constant 0 : index
    %get3A_7 = vector.load %arg5[%get3A_5, %get3A_6] : memref<640x128xf32, #tpu.memory_space<vmem>>, vector<640x1xf32>
    %add3A = arith.addf %get3A_4, %get3A_7 : vector<640x1xf32>
    %add3A_8 = arith.constant 1.000000e+00 : f32
    %add3A_9 = vector.broadcast %add3A_8 : f32 to vector<640x1xf32>
    %add3A_10 = arith.addf %add3A, %add3A_9 : vector<640x1xf32>
    %get3A_11 = arith.constant 0 : index
    %get3A_12 = arith.constant 0 : index
    %get3A_13 = vector.load %arg2[%get3A_11, %get3A_12] : memref<640x128xf32, #tpu.memory_space<vmem>>, vector<640x128xf32>
    %get3A_14 = arith.constant 0 : index
    %get3A_15 = arith.constant 0 : index
    %get3A_16 = vector.load %arg3[%get3A_14, %get3A_15] : memref<640x128xf32, #tpu.memory_space<vmem>>, vector<640x128xf32>
    %add3A_17 = arith.addf %get3A_13, %get3A_16 : vector<640x128xf32>
    %add3A_18 = arith.addf %add3A_17, %get3A_1 : vector<640x128xf32>
    %div3A = vector.broadcast %add3A_10 : vector<640x1xf32> to vector<640x128xf32>
    %div3A_19 = arith.divf %add3A_18, %div3A : vector<640x128xf32>
    %get3A_20 = arith.constant 0 : index
    %get3A_21 = arith.constant 0 : index
    %get3A_22 = vector.load %arg6[%get3A_20, %get3A_21] : memref<128x128xf32, #tpu.memory_space<vmem>>, vector<128x128xf32>
    %dot_general3A = arith.constant dense<0.000000e+00> : vector<640x128xf32>
    %dot_general3A_23 = tpu.matmul %div3A_19, %get3A_22, %dot_general3A {dimension_numbers = #tpu.dot_dimension_numbers<[1], [1], [0], [0], [0, 0, 1, 0], [], []>, transpose_lhs_hint = false} : vector<640x128xf32>, vector<128x128xf32>, vector<640x128xf32> -> vector<640x128xf32>
    %get3A_24 = arith.constant 0 : index
    %get3A_25 = arith.constant 0 : index
    %get3A_26 = vector.load %arg7[%get3A_24, %get3A_25] : memref<128x128xf32, #tpu.memory_space<vmem>>, vector<128x128xf32>
    %dot_general3A_27 = arith.constant dense<0.000000e+00> : vector<640x128xf32>
    %dot_general3A_28 = tpu.matmul %get3A_1, %get3A_26, %dot_general3A_27 {dimension_numbers = #tpu.dot_dimension_numbers<[1], [1], [0], [0], [0, 0, 1, 0], [], []>, transpose_lhs_hint = false} : vector<640x128xf32>, vector<128x128xf32>, vector<640x128xf32> -> vector<640x128xf32>
    %add3A_29 = arith.addf %dot_general3A_23, %dot_general3A_28 : vector<640x128xf32>
    %get3A_30 = arith.constant 0 : index
    %get3A_31 = arith.constant 0 : index
    %get3A_32 = vector.load %arg8[%get3A_30, %get3A_31] : memref<1x128xf32, #tpu.memory_space<vmem>>, vector<1x128xf32>
    %add3A_33 = vector.broadcast %get3A_32 : vector<1x128xf32> to vector<640x128xf32>
    %add3A_34 = arith.addf %add3A_29, %add3A_33 : vector<640x128xf32>
    %max3A = arith.constant 0.000000e+00 : f32
    %max3A_35 = vector.broadcast %max3A : f32 to vector<640x128xf32>
    %max3A_36 = arith.maximumf %add3A_34, %max3A_35 : vector<640x128xf32>
    %reduce_sum3A = arith.constant dense<0.000000e+00> : vector<640xf32>
    %reduce_sum3A_37 = vector.multi_reduction <add>, %max3A_36, %reduce_sum3A [1] : vector<640x128xf32> to vector<640xf32>
    %broadcast_in_dim3A = vector.shape_cast %reduce_sum3A_37 : vector<640xf32> to vector<640x1xf32>
    %div3A_38 = arith.constant 1.280000e+02 : f32
    %div3A_39 = vector.broadcast %div3A_38 : f32 to vector<640x1xf32>
    %div3A_40 = arith.divf %broadcast_in_dim3A, %div3A_39 : vector<640x1xf32>
    %sub3A = vector.broadcast %div3A_40 : vector<640x1xf32> to vector<640x128xf32>
    %sub3A_41 = arith.subf %max3A_36, %sub3A : vector<640x128xf32>
    %sub3A_42 = vector.broadcast %div3A_40 : vector<640x1xf32> to vector<640x128xf32>
    %sub3A_43 = arith.subf %max3A_36, %sub3A_42 : vector<640x128xf32>
    %mul3A = arith.mulf %sub3A_41, %sub3A_43 : vector<640x128xf32>
    %reduce_sum3A_44 = arith.constant dense<0.000000e+00> : vector<640xf32>
    %reduce_sum3A_45 = vector.multi_reduction <add>, %mul3A, %reduce_sum3A_44 [1] : vector<640x128xf32> to vector<640xf32>
    %broadcast_in_dim3A_46 = vector.shape_cast %reduce_sum3A_45 : vector<640xf32> to vector<640x1xf32>
    %div3A_47 = arith.constant 1.280000e+02 : f32
    %div3A_48 = vector.broadcast %div3A_47 : f32 to vector<640x1xf32>
    %div3A_49 = arith.divf %broadcast_in_dim3A_46, %div3A_48 : vector<640x1xf32>
    %sub3A_50 = vector.broadcast %div3A_40 : vector<640x1xf32> to vector<640x128xf32>
    %sub3A_51 = arith.subf %max3A_36, %sub3A_50 : vector<640x128xf32>
    %add3A_52 = arith.constant 9.99999974E-6 : f32
    %add3A_53 = vector.broadcast %add3A_52 : f32 to vector<640x1xf32>
    %add3A_54 = arith.addf %div3A_49, %add3A_53 : vector<640x1xf32>
    %rsqrt3A = math.rsqrt %add3A_54 : vector<640x1xf32>
    %mul3A_55 = vector.broadcast %rsqrt3A : vector<640x1xf32> to vector<640x128xf32>
    %mul3A_56 = arith.mulf %sub3A_51, %mul3A_55 : vector<640x128xf32>
    %get3A_57 = arith.constant 0 : index
    %get3A_58 = arith.constant 0 : index
    %get3A_59 = vector.load %arg9[%get3A_57, %get3A_58] : memref<1x128xf32, #tpu.memory_space<vmem>>, vector<1x128xf32>
    %mul3A_60 = vector.broadcast %get3A_59 : vector<1x128xf32> to vector<640x128xf32>
    %mul3A_61 = arith.mulf %mul3A_56, %mul3A_60 : vector<640x128xf32>
    %get3A_62 = arith.constant 0 : index
    %get3A_63 = arith.constant 0 : index
    %get3A_64 = vector.load %arg10[%get3A_62, %get3A_63] : memref<1x128xf32, #tpu.memory_space<vmem>>, vector<1x128xf32>
    %add3A_65 = vector.broadcast %get3A_64 : vector<1x128xf32> to vector<640x128xf32>
    %add3A_66 = arith.addf %mul3A_61, %add3A_65 : vector<640x128xf32>
    %get3A_67 = arith.constant 0 : index
    %get3A_68 = arith.constant 0 : index
    %get3A_69 = vector.load %arg11[%get3A_67, %get3A_68] : memref<128x128xf32, #tpu.memory_space<vmem>>, vector<128x128xf32>
    %dot_general3A_70 = arith.constant dense<0.000000e+00> : vector<640x128xf32>
    %dot_general3A_71 = tpu.matmul %add3A_66, %get3A_69, %dot_general3A_70 {dimension_numbers = #tpu.dot_dimension_numbers<[1], [1], [0], [0], [0, 0, 1, 0], [], []>, transpose_lhs_hint = false} : vector<640x128xf32>, vector<128x128xf32>, vector<640x128xf32> -> vector<640x128xf32>
    %get3A_72 = arith.constant 0 : index
    %get3A_73 = arith.constant 0 : index
    %get3A_74 = vector.load %arg12[%get3A_72, %get3A_73] : memref<1x128xf32, #tpu.memory_space<vmem>>, vector<1x128xf32>
    %add3A_75 = vector.broadcast %get3A_74 : vector<1x128xf32> to vector<640x128xf32>
    %add3A_76 = arith.addf %dot_general3A_71, %add3A_75 : vector<640x128xf32>
    %reduce_max3A = arith.constant dense<0xFF800000> : vector<640xf32>
    %reduce_max3A_77 = vector.multi_reduction <maximumf>, %add3A_76, %reduce_max3A [1] : vector<640x128xf32> to vector<640xf32>
    %broadcast_in_dim3A_78 = vector.shape_cast %reduce_max3A_77 : vector<640xf32> to vector<640x1xf32>
    %sub3A_79 = vector.broadcast %broadcast_in_dim3A_78 : vector<640x1xf32> to vector<640x128xf32>
    %sub3A_80 = arith.subf %add3A_76, %sub3A_79 : vector<640x128xf32>
    %exp3A = math.exp %sub3A_80 : vector<640x128xf32>
    %reduce_sum3A_81 = arith.constant dense<0.000000e+00> : vector<640xf32>
    %reduce_sum3A_82 = vector.multi_reduction <add>, %exp3A, %reduce_sum3A_81 [1] : vector<640x128xf32> to vector<640xf32>
    %broadcast_in_dim3A_83 = vector.shape_cast %reduce_sum3A_82 : vector<640xf32> to vector<640x1xf32>
    %log3A = math.log %broadcast_in_dim3A_83 : vector<640x1xf32>
    %add3A_84 = arith.addf %broadcast_in_dim3A_78, %log3A : vector<640x1xf32>
    %sub3A_85 = vector.broadcast %add3A_84 : vector<640x1xf32> to vector<640x128xf32>
    %sub3A_86 = arith.subf %add3A_76, %sub3A_85 : vector<640x128xf32>
    %swap3A = arith.constant 0 : index
    %swap3A_87 = arith.constant 0 : index
    %swap3A_88 = vector.load %arg13[%swap3A, %swap3A_87] : memref<640x128xf32, #tpu.memory_space<vmem>>, vector<640x128xf32>
    tpu.vector_store %arg13[%swap3A, %swap3A_87], %sub3A_86 {strides = array<i32>} : memref<640x128xf32, #tpu.memory_space<vmem>>, vector<640x128xf32>,
    return
  }
  func.func @transform_0(%arg0: i32) -> (i32, i32) {
    %add3A = arith.constant 0 : i32
    %add3A_0 = arith.addi %arg0, %add3A : i32
    %c0_i32 = arith.constant 0 : i32
    %c0_i32_1 = arith.constant 0 : i32
    return %add3A_0, %c0_i32 : i32, i32
  }
  func.func @transform_1(%arg0: i32) -> (i32, i32) {
    %add3A = arith.constant 0 : i32
    %add3A_0 = arith.addi %arg0, %add3A : i32
    %c0_i32 = arith.constant 0 : i32
    %c0_i32_1 = arith.constant 0 : i32
    return %add3A_0, %c0_i32 : i32, i32
  }
  func.func @transform_2(%arg0: i32) -> (i32, i32) {
    %add3A = arith.constant 16 : i32
    %add3A_0 = arith.addi %arg0, %add3A : i32
    %c0_i32 = arith.constant 0 : i32
    %c0_i32_1 = arith.constant 0 : i32
    return %add3A_0, %c0_i32 : i32, i32
  }
  func.func @transform_3(%arg0: i32) -> (i32, i32) {
    %add3A = arith.constant 0 : i32
    %add3A_0 = arith.addi %arg0, %add3A : i32
    %c0_i32 = arith.constant 0 : i32
    %c0_i32_1 = arith.constant 0 : i32
    return %add3A_0, %c0_i32 : i32, i32
  }
  func.func @transform_4(%arg0: i32) -> (i32, i32) {
    %add3A = arith.constant 16 : i32
    %add3A_0 = arith.addi %arg0, %add3A : i32
    %c0_i32 = arith.constant 0 : i32
    %c0_i32_1 = arith.constant 0 : i32
    return %add3A_0, %c0_i32 : i32, i32
  }
  func.func @transform_5(%arg0: i32) -> (i32, i32) {
    %c0_i32 = arith.constant 0 : i32
    %c0_i32_0 = arith.constant 0 : i32
    %c0_i32_1 = arith.constant 0 : i32
    return %c0_i32, %c0_i32_0 : i32, i32
  }
  func.func @transform_6(%arg0: i32) -> (i32, i32) {
    %c0_i32 = arith.constant 0 : i32
    %c0_i32_0 = arith.constant 0 : i32
    %c0_i32_1 = arith.constant 0 : i32
    return %c0_i32, %c0_i32_0 : i32, i32
  }
  func.func @transform_7(%arg0: i32) -> (i32, i32) {
    %c0_i32 = arith.constant 0 : i32
    %c0_i32_0 = arith.constant 0 : i32
    %c0_i32_1 = arith.constant 0 : i32
    return %c0_i32, %c0_i32_0 : i32, i32
  }
  func.func @transform_8(%arg0: i32) -> (i32, i32) {
    %c0_i32 = arith.constant 0 : i32
    %c0_i32_0 = arith.constant 0 : i32
    %c0_i32_1 = arith.constant 0 : i32
    return %c0_i32, %c0_i32_0 : i32, i32
  }
  func.func @transform_9(%arg0: i32) -> (i32, i32) {
    %c0_i32 = arith.constant 0 : i32
    %c0_i32_0 = arith.constant 0 : i32
    %c0_i32_1 = arith.constant 0 : i32
    return %c0_i32, %c0_i32_0 : i32, i32
  }
  func.func @transform_10(%arg0: i32) -> (i32, i32) {
    %c0_i32 = arith.constant 0 : i32
    %c0_i32_0 = arith.constant 0 : i32
    %c0_i32_1 = arith.constant 0 : i32
    return %c0_i32, %c0_i32_0 : i32, i32
  }
  func.func @transform_11(%arg0: i32) -> (i32, i32) {
    %c0_i32 = arith.constant 0 : i32
    %c0_i32_0 = arith.constant 0 : i32
    %c0_i32_1 = arith.constant 0 : i32
    return %c0_i32, %c0_i32_0 : i32, i32
  }
  func.func @transform_12(%arg0: i32) -> (i32, i32) {
    %add3A = arith.constant 0 : i32
    %add3A_0 = arith.addi %arg0, %add3A : i32
    %c0_i32 = arith.constant 0 : i32
    %c0_i32_1 = arith.constant 0 : i32
    return %add3A_0, %c0_i32 : i32, i32
  }
}

</mosaic_0001>

<sc_bundles>
// kernel: kernel.10.cloned.1.call-start
scs
__scs_entry_jumppad:
0x0: {  	(pc) =	sbr.rel $0x88, $3  }
0x1: {  	(tag) =	ssettag $0x0;
	lr =	simm.s32 $0x1  }
0x2: {  	[smem:$0x3F93] =	sst lr;
	_ =	strace $0xD0000000  }
0x3: {  	_ = 	snop  }
0x4: {  	_ = 	snop  }
0x5: {  	_ = 	snop  }
0x6: {  	_ = 	snop  }
0x7: {  	_ = 	snop  }
__scs_overlays_trampoline_lowered:
0x8: {  	[smem:$0x3FA2] =	sst s0  }
0x9: {  	[smem:$0x3FA3] =	sst s1  }
0xa: {  	[smem:$0x3FA4] =	sst s2  }
0xb: {  	[smem:$0x3FA5] =	sst s3  }
0xc: {  	[smem:$0x3FA6] =	sst s4  }
0xd: {  	[smem:$0x3FA7] =	sst s5  }
0xe: {  	[smem:$0x3FA8] =	sst s6  }
0xf: {  	[smem:$0x3FA9] =	sst s7  }
0x10: {  	[smem:$0x3FAA] =	sst s8  }
0x11: {  	[smem:$0x3FAB] =	sst s9;
	s0 =	simm.s32 @!p0 $0x0  }
0x12: {  	s1 =	sld [smem:$0x3F91];
	s0 =	simm.s32 @p0 $0x1  }
0x13: {  	[smem:$0x3FAC] =	sst s0;
	s0 =	simm.s32 @!p1 $0x0  }
0x14: {  	s2 =	sld [smem:$0x3F90];
	s0 =	simm.s32 @p1 $0x1  }
0x15: {  	[smem:$0x3FAD] =	sst s0;
	s0 =	simm.s32 @!p2 $0x0  }
0x16: {  	s3 =	sld [smem:$0x3FDB];
	s0 =	simm.s32 @p2 $0x1  }
0x17: {  	s4 =	simm.s32 $0x1BF5;
	[smem:$0x3FAF] =	sst s0  }
0x18: {  	s0 =	sld [smem:$0x3F92];
	_ =	swait.ge [sflag:s4], $0x0  }
0x19: {  	s7 =	sld [smem:$0x3F93]  }
0x1a: {  	s8 =	sadd.s32 $0xFFFFE003, lr  }
0x1b: {  	s9 =	sadd.s32 $0xFFFFFEF7, lr;
	s5 =	simm.s32 $0xFFFFFFFF;
	p2 =	slt.u32 s8, $0xFFFFF086  }
0x1c: {  	p1 =	slt.u32 s9, $0xF7A;
	s5 =	simm.s32 @!p2 $0x0  }
0x1d: {  	s5 =	simm.s32 @p1 $0x1;
	p0 =	seq.s32 s7, s2  }
0x1e: {  	s7 =	smul.u32 @!p0 $0xF7A, s2;
	p2 =	seq.s32 @!p0 s5, $0x0  }
0x1f: {  	s9 =	smul.u32 $0xF7A, s1;
	s8 =	simm.s32 @!p0 $0x1BF5;
	p2 =	por !p2, p0  }
0x20: {  	[sflag:s8] =	ssyncset.s32 @!p0 $0xFFFFF086;
	s6 =	sadd.s32 @!p0 s3, s7;
	s7 =	simm.s32 @!p0 $0x108  }
0x21: {  	s3 =	sadd.s32 s3, s9;
	s6 =	sadd.s32 @!p0 $0x88, s6;
	s7 =	simm.s32 @p2 $0x1082  }
0x22: {  	[simem:s7], [sflag:s8] =	dma.local @!p0 [hbm:s6], $0xF7A  }
0x23: {  	s9 =	sor.u32 $0xD0000000, s2;
	s6 =	simm.s32 $0x108;
	_ =	swait.ge @!p0 [sflag:s8], $0x0  }
0x24: {  	s3 =	sadd.s32 $0x88, s3;
	s6 =	simm.s32 @!p1 $0x1082;
	[sflag:s4] =	ssyncset.s32 $0xFFFFF086  }
0x25: {  	[simem:s6], [sflag:s4] =	dma.local [hbm:s3], $0xF7A  }
0x26: {  	[smem:$0x3F93] =	sst s1;
	(tag) =	ssettag s2;
	_ =	strace s9  }
0x27: {  	s1 =	sld [smem:$0x3FA3]  }
0x28: {  	s2 =	sld [smem:$0x3FA4]  }
0x29: {  	s4 =	sld [smem:$0x3FA6]  }
0x2a: {  	p0 =	seq.s32 s5, $0x0;
	s5 =	sld [smem:$0x3FA7]  }
0x2b: {  	s6 =	sld [smem:$0x3FA8]  }
0x2c: {  	s7 =	sld [smem:$0x3FA9]  }
0x2d: {  	s3 =	simm.s32 $0x108;
	s8 =	sld [smem:$0x3FAA]  }
0x2e: {  	s3 =	simm.s32 @!p0 $0x1082;
	s9 =	sld [smem:$0x3FAB]  }
0x2f: {  	lr =	sadd.s32 s0, s3;
	s0 =	sld [smem:$0x3FA2]  }
0x30: {  	s3 =	sld [smem:$0x3FA5]  }
0x31: {  	[smem:$0x3FAE] =	sst s10  }
0x32: {  	s10 =	sld [smem:$0x3FAC];
	_ =	sdelay $0x3  }
0x33: {  	p0 =	seq.s32 s10, $0x1;
	s10 =	sld [smem:$0x3FAE];
	_ =	sdelay $0x3  }
0x34: {  	[smem:$0x3FAE] =	sst s10  }
0x35: {  	s10 =	sld [smem:$0x3FAD];
	_ =	sdelay $0x3  }
0x36: {  	p1 =	seq.s32 s10, $0x1;
	s10 =	sld [smem:$0x3FAE];
	_ =	sdelay $0x3  }
0x37: {  	[smem:$0x3FAE] =	sst s10  }
0x38: {  	s10 =	sld [smem:$0x3FAF]  }
0x39: {  	_ = 	snop;
	(pc) =	sbr.ind lr, $3  }
0x3a: {  	_ = 	snop  }
0x3b: {  	_ = 	snop  }
0x3c: {  	p2 =	seq.s32 s10, $0x1;
	s10 =	sld [smem:$0x3FAE]  }
0x3d: {  	_ =	shalt  }
0x3e: {  	_ =	shalt  }
0x3f: {  	_ =	shalt  }
0x40: {  	_ =	shalt  }
0x41: {  	_ =	shalt  }
0x42: {  	_ =	shalt  }
0x43: {  	_ =	shalt  }
0x44: {  	_ =	shalt  }
0x45: {  	_ =	shalt  }
0x46: {  	_ =	shalt  }
0x47: {  	_ =	shalt  }
0x48: {  	_ =	shalt  }
0x49: {  	_ =	shalt  }
0x4a: {  	_ =	shalt  }
0x4b: {  	_ =	shalt  }
0x4c: {  	_ =	shalt  }
0x4d: {  	_ =	shalt  }
0x4e: {  	_ =	shalt  }
0x4f: {  	_ =	shalt  }
0x50: {  	_ =	shalt  }
0x51: {  	_ =	shalt  }
0x52: {  	_ =	shalt  }
0x53: {  	_ =	shalt  }
0x54: {  	_ =	shalt  }
0x55: {  	_ =	shalt  }
0x56: {  	_ =	shalt  }
0x57: {  	_ =	shalt  }
0x58: {  	_ =	shalt  }
0x59: {  	_ =	shalt  }
0x5a: {  	_ =	shalt  }
0x5b: {  	_ =	shalt  }
0x5c: {  	_ =	shalt  }
0x5d: {  	_ =	shalt  }
0x5e: {  	_ =	shalt  }
0x5f: {  	_ =	shalt  }
0x60: {  	_ =	shalt  }
0x61: {  	_ =	shalt  }
0x62: {  	_ =	shalt  }
0x63: {  	_ =	shalt  }
0x64: {  	_ =	shalt  }
0x65: {  	_ =	shalt  }
0x66: {  	_ =	shalt  }
0x67: {  	_ =	shalt  }
0x68: {  	_ =	shalt  }
0x69: {  	_ =	shalt  }
0x6a: {  	_ =	shalt  }
0x6b: {  	_ =	shalt  }
0x6c: {  	_ =	shalt  }
0x6d: {  	_ =	shalt  }
0x6e: {  	_ =	shalt  }
0x6f: {  	_ =	shalt  }
0x70: {  	_ =	shalt  }
0x71: {  	_ =	shalt  }
0x72: {  	_ =	shalt  }
0x73: {  	_ =	shalt  }
0x74: {  	_ =	shalt  }
0x75: {  	_ =	shalt  }
0x76: {  	_ =	shalt  }
0x77: {  	_ =	shalt  }
0x78: {  	_ =	shalt  }
0x79: {  	_ =	shalt  }
0x7a: {  	_ =	shalt  }
0x7b: {  	_ =	shalt  }
0x7c: {  	_ =	shalt  }
0x7d: {  	_ =	shalt  }
0x7e: {  	_ =	shalt  }
0x7f: {  	_ =	shalt  }
0x80: {  	_ =	shalt  }
0x81: {  	_ =	shalt  }
0x82: {  	_ =	shalt  }
0x83: {  	_ =	shalt  }
0x84: {  	_ =	shalt  }
0x85: {  	_ =	shalt  }
0x86: {  	_ =	shalt  }
0x87: {  	_ =	shalt  }
.Lfunc_end0:
.L_simem_size_0:
called_computation.1_lowered:
.L_overlay_start_0:
0x88: {  	s2 =	sld [smem:$0x3FD9]  }
0x89: {  	s3 =	sld [smem:$0x3FFE];
	_ =	sdelay $0x1  }
0x8a: {  	s1 =	srdreg.scid  }
0x8b: {  	s0 =	sand.u32 $0x1, s1  }
0x8c: {  	s17 =	sshll.u32 s0, $0xA;
	s2 =	sadd.s32 s3, s2  }
0x8d: {  	s2 =	sadd.s32 s2, s17  }
0x8e: {  	[smem:$0x3FBA] =	sst s2  }
0x8f: {  	_ = 	snop  }
0x90: {  	s2 =	sld [smem:$0x3FD0];
	(tm) =	ssettm $0x1  }
0x91: {  	s18 =	sld [smem:$0x3FFB];
	_ =	sdelay $0x3  }
0x92: {  	_ =	strace s18  }
0x93: {  	s3 =	sld [smem:$0x3FFC];
	_ =	sdelay $0x3  }
0x94: {  	_ =	strace s3  }
0x95: {  	s3 =	sld [smem:$0x3FFD];
	_ =	sdelay $0x3  }
0x96: {  	_ =	strace s3  }
0x97: {  	_ =	strace $0x8FFFFFFF  }
0x98: {  	s19 =	sld [smem:$0x3FDB];
	_ =	sdelay $0x1  }
0x99: {  	s4 =	simm.s32 $_scs_section_size  }
0x9a: {  	s5 =	simm.s32 $_size__tile_overlayer_lowered;
	s6 =	simm.s32 $_tile_overlayer_lowered  }
0x9b: {  	s22 =	simm.s32 $0x1BFF;
	s21 =	sshll.u32 s6, $0x1;
	s3 =	sadd.s32 s4, s19  }
0x9c: {  	s7 =	simm.s32 $0x0;
	s20 =	sshll.u32 s5, $0x1;
	s5 =	sadd.s32 s21, s3  }
0x9d: {  	[timem:s7], [sflag:s22] =	dma.local [hbm:s5], s20  }
0x9e: {  	_ =	swait.ge [sflag:s22], s20  }
0x9f: {  	s4 =	ssub.s32 $0x0, s20;
	[sflag:s22] =	ssyncset.done $0x0  }
0xa0: {  	[sflag:s22] =	ssyncadd.s32 s4;
	_ =	sdelay $0x1  }
0xa1: {  	s23 =	simm.s32 $0x1B8B  }
0xa2: {  	_ =	swait.ge [sflag:s23], $0x1  }
0xa3: {  	[sflag:s23] =	ssyncset.done $0x0  }
0xa4: {  	s25 =	simm.s32 $0x1B8E;
	s24 =	sld [smem:$0x3FFE];
	[sflag:s23] =	ssyncadd.s32 $0xFFFFFFFF  }
0xa5: {  	s26 =	simm.s32 $execute0_lowered;
	[smem:$0x3FD2] =	sst s25  }
0xa6: {  	s5 =	sshll.u32 s26, $0x1;
	_ =	strace $0x80000046;
	[dreg:$0x1] =	wrdreg $0xFFFFFFFF  }
0xa7: {  	s28 =	simm.s32 $_size_execute0_lowered;
	s3 =	sadd.s32 s3, s5;
	[dreg:$0x0] =	wrdreg $0x0  }
0xa8: {  	s5 =	sshll.u32 s28, $0x1;
	[dreg:$0x2] =	wrdreg s3  }
0xa9: {  	[dreg:$0x3] =	wrdreg s5  }
0xaa: {  	[dreg:$0x4] =	wrdreg $0xC0  }
0xab: {  	_ =	task [dreg:s7], $0x5FFFF  }
0xac: {  	[dreg:$0x1] =	wrdreg $0xFFFFFFFF  }
0xad: {  	[dreg:$0x0] =	wrdreg $0x60  }
0xae: {  	[dreg:$0x2] =	wrdreg s24  }
0xaf: {  	[dreg:$0x3] =	wrdreg s2  }
0xb0: {  	[dreg:$0x4] =	wrdreg $0x41000  }
0xb1: {  	[dreg:$0x5] =	wrdreg $0xA  }
0xb2: {  	_ =	task.clear_ibuf [dreg:s7], $0x6FFFF;
	_ =	strace $0x90000046  }
0xb3: {  	s29 =	simm.s32 $0xA;
	_ =	strace $0x80000048  }
0xb4: {  	_ =	swait.ge [sflag:s29], $0x1  }
0xb5: {  	[sflag:s29] =	ssyncadd.s32 $0xFFFFFFFF  }
0xb6: {  	_ =	strace $0x90000048  }
0xb7: {  	_ =	sfence  }
0xb8: {  	s30 =	sld [smem:$0x0];
	_ =	sdelay $0x2  }
0xb9: {  	s31 =	sshll.u32 s1, $0xD;
	s1 =	sshrl.u32 s1, $0x2  }
0xba: {  	s3 =	sand.u32 $0x4000, s31;
	s1 =	sadd.s32 s1, s30  }
0xbb: {  	s0 =	sor.u32 s3, s0;
	s1 =	sshll.u32 s1, $0x11  }
0xbc: {  	s0 =	sor.u32 s1, s0  }
0xbd: {  	s0 =	sadd.s32 $0x8F2B, s0  }
0xbe: {  	[sflag:s0] =	ssyncadd.remote.s32 $0x1  }
0xbf: {  	_ =	sfence.sel $0xFFFF  }
0xc0: {  	[dreg:$0x0] =	wrdreg $0xFFFFFFFF;
	(pc) =	sbr.abs _section_cstart, $3  }
0xc1: {  	[dreg:$0x1] =	wrdreg $0xFFFFFFFF  }
0xc2: {  	_ =	task.clear_ibuf [dreg:s7], $0x2FFFF;
	_ =	strace $0x9FFFFFFF  }
0xc3: {  	(tm) =	ssettm $0x7FFFFFFF  }
tec
execute0_lowered:
.L_overlay_start_1:
0x0: {  	(tag) =	ssettag $0x1  }
0x1: {  	s6 =	rddreg [dreg:$0x0]  }
0x2: {  	s18 =	rddreg [dreg:$0x1]  }
0x3: {  	s2 =	rddreg [dreg:$0x2]  }
0x4: {  	s0 =	rddreg [dreg:$0x3]  }
0x5: {  	s1 =	stileid.u32;
	s4 =	srdreg.scid  }
0x6: {  	s3 =	simm.s32 $0x0;
	s22 =	simm.s32 $0x1;
	s19 =	smul.u32 $0xA00, s1  }
0x7: {  	s23 =	simm.s32 $0x0;
	s11 =	sand.u32 $0x1, s4;
	s7 =	smul.u32 $0x280, s1  }
0x8: {  	[smem:$0x7FF] =	sst s3;
	s4 =	sadd.s32 $0xCE00, s6;
	s9 =	smul.u32 $0x50000, s1  }
0x9: {  	s5 =	sadd.s32 $0x34E00, s6;
	s8 =	smul.u32 $0x2800, s11;
	_ =	strace $0x80000047  }
0xa: {  	s30 =	ssub.s32 $0x2, s11;
	s20 =	smul.u32 $0x500, s11;
	s16 =	sadd.s32 s19, s6  }
0xb: {  	s9 =	sshrl.u32 s9, $0x2;
	s31 =	sshrl.u32 s30, $0x1;
	s18 =	sadd.s32 s19, s18  }
0xc: {  	s19 =	simm.s32 $0x100;
	s7 =	sadd.s32 s7, s8;
	s17 =	ssub.s32 s30, s31  }
0xd: {  	s21 =	sadd.s32 s20, s16;
	s18 =	sadd.s32 s20, s18;
	s20 =	simm.s32 $0x2  }
0xe: {  	s7 =	sshll.u32 s7, $0x4;
	s16 =	smax.u32 s17, $0x1;
	s17 =	sadd.s32 $0x2E00, s21  }
0xf: {  	s21 =	simm.s32 $0x80;
	s15 =	sadd.s32 s7, s6;
	s6 =	sadd.s32 s9, s2  }
0x10: {  	s7 =	sadd.s32 $0x4000, s6;
	s8 =	sadd.s32 $0x8000, s6;
	s9 =	sadd.s32 $0xC000, s6  }
0x11: {  	s10 =	sadd.s32 $0x10000, s6;
	s11 =	sadd.s32 $0x35600, s15;
	s12 =	sadd.s32 $0x35E00, s15  }
0x12: {  	s13 =	sadd.s32 $0x36600, s15;
	s14 =	sadd.s32 $0x36E00, s15;
	s15 =	sadd.s32 $0x37600, s15  }
.LBB2_1:
0x13: {  	[tilespmem:s19], [sflag:$0x2] =	stream.linear.gather [hbm4b:s5+s3], $0x4000, $0x38;
	[tilespmem:$0x18100] =	vst v63  }
0x14: {  	_ =	swait.ge [sflag:s20], $0x4000  }
0x15: {  	[sflag:s20] =	ssyncset.done $0x0  }
0x16: {  	[sflag:s20] =	ssyncadd.s32 $0xFFFFC000  }
0x17: {  	[spmem:s6] =	stream.linear.scatter [tilespmem:s19], [sflag:$0x2], $0x4000, $0x38;
	[tilespmem:$0x18100] =	vst v63  }
0x18: {  	_ =	swait.ge [sflag:s20], $0x4000  }
0x19: {  	[sflag:s20] =	ssyncset.done $0x0  }
0x1a: {  	[sflag:s20] =	ssyncadd.s32 $0xFFFFC000  }
0x1b: {  	[spmem:s7] =	stream.linear.scatter [tilespmem:s19], [sflag:$0x2], $0x4000, $0x38;
	[tilespmem:$0x18100] =	vst v63  }
0x1c: {  	_ =	swait.ge [sflag:s20], $0x4000  }
0x1d: {  	[sflag:s20] =	ssyncset.done $0x0  }
0x1e: {  	[sflag:s20] =	ssyncadd.s32 $0xFFFFC000  }
0x1f: {  	[spmem:s8] =	stream.linear.scatter [tilespmem:s19], [sflag:$0x2], $0x4000, $0x38;
	[tilespmem:$0x18100] =	vst v63  }
0x20: {  	_ =	swait.ge [sflag:s20], $0x4000  }
0x21: {  	[sflag:s20] =	ssyncset.done $0x0  }
0x22: {  	[sflag:s20] =	ssyncadd.s32 $0xFFFFC000  }
0x23: {  	[spmem:s9] =	stream.linear.scatter [tilespmem:s19], [sflag:$0x2], $0x4000, $0x38;
	[tilespmem:$0x18100] =	vst v63  }
0x24: {  	_ =	swait.ge [sflag:s20], $0x4000  }
0x25: {  	[sflag:s20] =	ssyncset.done $0x0  }
0x26: {  	[sflag:s20] =	ssyncadd.s32 $0xFFFFC000  }
0x27: {  	[spmem:s10] =	stream.linear.scatter [tilespmem:s19], [sflag:$0x2], $0x4000, $0x38;
	[tilespmem:$0x18100] =	vst v63  }
0x28: {  	_ =	swait.ge [sflag:s20], $0x4000  }
0x29: {  	[sflag:s20] =	ssyncset.done $0x0  }
0x2a: {  	[sflag:s20] =	ssyncadd.s32 $0xFFFFC000  }
0x2b: {  	s24 =	sadd.s32 $0x0, s18;
	[bflag:$0x0] =	sbarrier.arrive $0xFFFF  }
0x2c: {  	[tilespmem:s3], [sflag:$0x2] =	stream.linear.gather [hbm4b:s24+s3], $0x80, $0x38;
	[tilespmem:$0x18100] =	vst v63  }
0x2d: {  	_ =	swait.ge [sflag:s20], $0x80  }
0x2e: {  	[sflag:s20] =	ssyncset.done $0x0  }
0x2f: {  	s31 =	sadd.s32 $0x0, s17;
	[sflag:s20] =	ssyncadd.s32 $0xFFFFFF80  }
0x30: {  	[tilespmem:s21], [sflag:$0x2] =	stream.linear.gather [hbm4b:s31+s3], $0x80, $0x38;
	[tilespmem:$0x18100] =	vst v63  }
0x31: {  	_ =	swait.ge [sflag:s20], $0x80  }
0x32: {  	[sflag:s20] =	ssyncset.done $0x0  }
0x33: {  	[sflag:s20] =	ssyncadd.s32 $0xFFFFFF80  }
0x34: {  	[tilespmem:s19], [sflag:$0x1] =	stream.indirect.gather [hbm4b:s4+s21], $0x80, s3, s21, $0xb8;
	[tilespmem:$0x18100] =	vst v63  }
0x35: {  	_ =	swait.ge [sflag:s22], $0x4000  }
0x36: {  	[sflag:s22] =	ssyncset.done $0x0  }
0x37: {  	[sflag:s22] =	ssyncadd.s32 $0xFFFFC000  }
0x38: {  	[spmem:s2] =	stream.indirect.scatter.add.f32 [tilespmem:s19], [sflag:$0x2], $0x80, s21, s21, $0xb8;
	[tilespmem:$0x18100] =	vst v63  }
0x39: {  	_ =	swait.ge [sflag:s20], $0x4000  }
0x3a: {  	s25 =	simm.s32 $0x20;
	s24 =	simm.s32 $0x10;
	[sflag:s20] =	ssyncset.done $0x0  }
.LBB2_2:
0x3b: {  	s26 =	sadd.s32 s24, s18  }
0x3c: {  	[sflag:s20] =	ssyncadd.s32 $0xFFFFC000;
	s28 =	smov.u32 s25;
	s29 =	sadd.s32 $0x10, s25  }
0x3d: {  	[tilespmem:s3], [sflag:$0x2] =	stream.linear.gather [hbm4b:s26+s3], $0x80, $0x38;
	[tilespmem:$0x18100] =	vst v63  }
0x3e: {  	p0 =	sne.s32 s25, $0x4F0;
	_ =	swait.ge [sflag:s20], $0x80  }
0x3f: {  	[sflag:s20] =	ssyncset.done $0x0  }
0x40: {  	s25 =	sadd.s32 s24, s17;
	s24 =	smov.u32 s28;
	[sflag:s20] =	ssyncadd.s32 $0xFFFFFF80  }
0x41: {  	[tilespmem:s21], [sflag:$0x2] =	stream.linear.gather [hbm4b:s25+s3], $0x80, $0x38;
	[tilespmem:$0x18100] =	vst v63  }
0x42: {  	_ =	swait.ge [sflag:s20], $0x80  }
0x43: {  	[sflag:s20] =	ssyncset.done $0x0  }
0x44: {  	[sflag:s20] =	ssyncadd.s32 $0xFFFFFF80  }
0x45: {  	[tilespmem:s19], [sflag:$0x1] =	stream.indirect.gather [hbm4b:s4+s21], $0x80, s3, s21, $0xb8;
	[tilespmem:$0x18100] =	vst v63  }
0x46: {  	_ =	swait.ge [sflag:s22], $0x4000  }
.Ltmp0:
0x47: {  	[sflag:s22] =	ssyncset.done $0x0;
	(pc) =	sbr.rel @p0 .LBB2_2-.Ltmp0, $4  }
0x48: {  	[sflag:s22] =	ssyncadd.s32 $0xFFFFC000  }
0x49: {  	[spmem:s2] =	stream.indirect.scatter.add.f32 [tilespmem:s19], [sflag:$0x2], $0x80, s21, s21, $0xb8;
	[tilespmem:$0x18100] =	vst v63  }
0x4a: {  	_ =	swait.ge [sflag:s20], $0x4000  }
0x4b: {  	s25 =	smov.u32 s29;
	[sflag:s20] =	ssyncset.done $0x0  }
0x4c: {  	s25 =	sadd.s32 s24, s18;
	[sflag:s20] =	ssyncadd.s32 $0xFFFFC000  }
0x4d: {  	[tilespmem:s3], [sflag:$0x2] =	stream.linear.gather [hbm4b:s25+s3], $0x80, $0x38;
	[tilespmem:$0x18100] =	vst v63  }
0x4e: {  	_ =	swait.ge [sflag:s20], $0x80  }
0x4f: {  	[sflag:s20] =	ssyncset.done $0x0  }
0x50: {  	s31 =	sadd.s32 s24, s17;
	[sflag:s20] =	ssyncadd.s32 $0xFFFFFF80  }
0x51: {  	[tilespmem:s21], [sflag:$0x2] =	stream.linear.gather [hbm4b:s31+s3], $0x80, $0x38;
	[tilespmem:$0x18100] =	vst v63  }
0x52: {  	_ =	swait.ge [sflag:s20], $0x80  }
0x53: {  	[sflag:s20] =	ssyncset.done $0x0  }
0x54: {  	[sflag:s20] =	ssyncadd.s32 $0xFFFFFF80  }
0x55: {  	[tilespmem:s19], [sflag:$0x1] =	stream.indirect.gather [hbm4b:s4+s21], $0x80, s3, s21, $0xb8;
	[tilespmem:$0x18100] =	vst v63  }
0x56: {  	_ =	swait.ge [sflag:s22], $0x4000  }
0x57: {  	[sflag:s22] =	ssyncset.done $0x0  }
0x58: {  	[sflag:s22] =	ssyncadd.s32 $0xFFFFC000  }
0x59: {  	[spmem:s2] =	stream.indirect.scatter.add.f32 [tilespmem:s19], [sflag:$0x2], $0x80, s21, s21, $0xb8;
	[tilespmem:$0x18100] =	vst v63  }
0x5a: {  	_ =	swait.ge [sflag:s20], $0x4000  }
0x5b: {  	[sflag:s20] =	ssyncset.done $0x0  }
0x5c: {  	[sflag:s20] =	ssyncadd.s32 $0xFFFFC000  }
0x5d: {  	[bflag:$0x0] =	sbarrier.arrive $0xFFFF  }
0x5e: {  	[tilespmem:s19], [sflag:$0x2] =	stream.linear.gather [spmem:s6], $0x4000, $0x38;
	[tilespmem:$0x18100] =	vst v63  }
0x5f: {  	_ =	swait.ge [sflag:s20], $0x4000  }
0x60: {  	[sflag:s20] =	ssyncset.done $0x0  }
0x61: {  	[sflag:s20] =	ssyncadd.s32 $0xFFFFC000  }
0x62: {  	[hbm4b:s11+s3] =	stream.linear.scatter [tilespmem:s19], [sflag:$0x2], $0x4000, $0x38;
	[tilespmem:$0x18100] =	vst v63  }
0x63: {  	_ =	swait.ge [sflag:s20], $0x4000  }
0x64: {  	[sflag:s20] =	ssyncset.done $0x0  }
0x65: {  	[sflag:s20] =	ssyncadd.s32 $0xFFFFC000  }
0x66: {  	[tilespmem:s19], [sflag:$0x2] =	stream.linear.gather [spmem:s7], $0x4000, $0x38;
	[tilespmem:$0x18100] =	vst v63  }
0x67: {  	_ =	swait.ge [sflag:s20], $0x4000  }
0x68: {  	[sflag:s20] =	ssyncset.done $0x0  }
0x69: {  	[sflag:s20] =	ssyncadd.s32 $0xFFFFC000  }
0x6a: {  	[hbm4b:s12+s3] =	stream.linear.scatter [tilespmem:s19], [sflag:$0x2], $0x4000, $0x38;
	[tilespmem:$0x18100] =	vst v63  }
0x6b: {  	_ =	swait.ge [sflag:s20], $0x4000  }
0x6c: {  	[sflag:s20] =	ssyncset.done $0x0  }
0x6d: {  	[sflag:s20] =	ssyncadd.s32 $0xFFFFC000  }
0x6e: {  	[tilespmem:s19], [sflag:$0x2] =	stream.linear.gather [spmem:s8], $0x4000, $0x38;
	[tilespmem:$0x18100] =	vst v63  }
0x6f: {  	_ =	swait.ge [sflag:s20], $0x4000  }
0x70: {  	[sflag:s20] =	ssyncset.done $0x0  }
0x71: {  	[sflag:s20] =	ssyncadd.s32 $0xFFFFC000  }
0x72: {  	[hbm4b:s13+s3] =	stream.linear.scatter [tilespmem:s19], [sflag:$0x2], $0x4000, $0x38;
	[tilespmem:$0x18100] =	vst v63  }
0x73: {  	_ =	swait.ge [sflag:s20], $0x4000  }
0x74: {  	[sflag:s20] =	ssyncset.done $0x0  }
0x75: {  	[sflag:s20] =	ssyncadd.s32 $0xFFFFC000  }
0x76: {  	[tilespmem:s19], [sflag:$0x2] =	stream.linear.gather [spmem:s9], $0x4000, $0x38;
	[tilespmem:$0x18100] =	vst v63  }
0x77: {  	_ =	swait.ge [sflag:s20], $0x4000  }
0x78: {  	[sflag:s20] =	ssyncset.done $0x0  }
0x79: {  	[sflag:s20] =	ssyncadd.s32 $0xFFFFC000  }
0x7a: {  	[hbm4b:s14+s3] =	stream.linear.scatter [tilespmem:s19], [sflag:$0x2], $0x4000, $0x38;
	[tilespmem:$0x18100] =	vst v63  }
0x7b: {  	_ =	swait.ge [sflag:s20], $0x4000  }
0x7c: {  	[sflag:s20] =	ssyncset.done $0x0  }
0x7d: {  	[sflag:s20] =	ssyncadd.s32 $0xFFFFC000  }
0x7e: {  	[tilespmem:s19], [sflag:$0x2] =	stream.linear.gather [spmem:s10], $0x4000, $0x38;
	[tilespmem:$0x18100] =	vst v63  }
0x7f: {  	s23 =	sadd.s32 $0x1, s23;
	_ =	swait.ge [sflag:s20], $0x4000  }
0x80: {  	p0 =	sne.s32 s23, s16;
	[sflag:s20] =	ssyncset.done $0x0  }
.Ltmp1:
0x81: {  	[sflag:s20] =	ssyncadd.s32 $0xFFFFC000;
	(pc) =	sbr.rel @p0 .LBB2_1-.Ltmp1, $4  }
0x82: {  	[hbm4b:s15+s3] =	stream.linear.scatter [tilespmem:s19], [sflag:$0x2], $0x4000, $0x38;
	[tilespmem:$0x18100] =	vst v63  }
0x83: {  	_ =	swait.ge [sflag:s20], $0x4000  }
0x84: {  	[sflag:s20] =	ssyncset.done $0x0  }
0x85: {  	[sflag:s20] =	ssyncadd.s32 $0xFFFFC000  }
0x86: {  	_ =	sfence.sel $0x180000  }
0x87: {  	[bflag:$0x0] =	sbarrier.arrive $0xFFFF  }
0x88: {  	p0 =	sne.s32 s1, $0x0;
	_ =	strace $0x90000047  }
0x89: {  	s0 =	sadd.s32 @!p0 $0x100000, s0;
	[bflag:$0x2] =	sbarrier.arrive $0xFFFF  }
0x8a: {  	[sflag:s0] =	ssyncadd.tile.s32 @!p0 $0x1;
	_ =	shalt  }
.Lfunc_end2:
_tile_overlayer_lowered:
.L_overlay_start_2:
0x8b: {  	(tag) =	ssettag $0x2  }
0x8c: {  	s0 =	rddreg [dreg:$0x0];
	s2 =	stileid.u32  }
0x8d: {  	s1 =	rddreg [dreg:$0x1];
	p0 =	sne.s32 s2, $0x0  }
0x8e: {  	s3 =	rddreg [dreg:$0x2];
	[bflag:$0x3] =	sbarrier.arrive $0xFFFF;
	s2 =	simm.s32 @!p0 $0x1C02  }
0x8f: {  	[timem:s3], [sflag:s2] =	dma.local @!p0 [hbm:s0], s1  }
0x90: {  	s0 =	simm.s32 @!p0 $0x2  }
0x91: {  	_ =	swait.ge @!p0 [sflag:s0], s1  }
0x92: {  	s1 =	ssub.s32 @!p0 $0x0, s1;
	[sflag:s0] =	ssyncset.done @!p0 $0x0  }
0x93: {  	[sflag:s0] =	ssyncadd.s32 @!p0 s1  }
0x94: {  	[bflag:$0x3] =	sbarrier.arrive $0xFFFF  }
0x95: {  	_ =	shalt  }

// kernel: kernel.13.cloned.1.call-start
scs
__scs_entry_jumppad:
0x0: {  	(pc) =	sbr.rel $0x88, $3  }
0x1: {  	(tag) =	ssettag $0x0;
	lr =	simm.s32 $0x1  }
0x2: {  	[smem:$0x3F93] =	sst lr;
	_ =	strace $0xD0000000  }
0x3: {  	_ = 	snop  }
0x4: {  	_ = 	snop  }
0x5: {  	_ = 	snop  }
0x6: {  	_ = 	snop  }
0x7: {  	_ = 	snop  }
__scs_overlays_trampoline_lowered:
0x8: {  	[smem:$0x3FA2] =	sst s0  }
0x9: {  	[smem:$0x3FA3] =	sst s1  }
0xa: {  	[smem:$0x3FA4] =	sst s2  }
0xb: {  	[smem:$0x3FA5] =	sst s3  }
0xc: {  	[smem:$0x3FA6] =	sst s4  }
0xd: {  	[smem:$0x3FA7] =	sst s5  }
0xe: {  	[smem:$0x3FA8] =	sst s6  }
0xf: {  	[smem:$0x3FA9] =	sst s7  }
0x10: {  	[smem:$0x3FAA] =	sst s8  }
0x11: {  	[smem:$0x3FAB] =	sst s9;
	s0 =	simm.s32 @!p0 $0x0  }
0x12: {  	s1 =	sld [smem:$0x3F91];
	s0 =	simm.s32 @p0 $0x1  }
0x13: {  	[smem:$0x3FAC] =	sst s0;
	s0 =	simm.s32 @!p1 $0x0  }
0x14: {  	s2 =	sld [smem:$0x3F90];
	s0 =	simm.s32 @p1 $0x1  }
0x15: {  	[smem:$0x3FAD] =	sst s0;
	s0 =	simm.s32 @!p2 $0x0  }
0x16: {  	s3 =	sld [smem:$0x3FDB];
	s0 =	simm.s32 @p2 $0x1  }
0x17: {  	s4 =	simm.s32 $0x1BF5;
	[smem:$0x3FAF] =	sst s0  }
0x18: {  	s0 =	sld [smem:$0x3F92];
	_ =	swait.ge [sflag:s4], $0x0  }
0x19: {  	s7 =	sld [smem:$0x3F93]  }
0x1a: {  	s8 =	sadd.s32 $0xFFFFE003, lr  }
0x1b: {  	s9 =	sadd.s32 $0xFFFFFEF7, lr;
	s5 =	simm.s32 $0xFFFFFFFF;
	p2 =	slt.u32 s8, $0xFFFFF086  }
0x1c: {  	p1 =	slt.u32 s9, $0xF7A;
	s5 =	simm.s32 @!p2 $0x0  }
0x1d: {  	s5 =	simm.s32 @p1 $0x1;
	p0 =	seq.s32 s7, s2  }
0x1e: {  	s7 =	smul.u32 @!p0 $0xF7A, s2;
	p2 =	seq.s32 @!p0 s5, $0x0  }
0x1f: {  	s9 =	smul.u32 $0xF7A, s1;
	s8 =	simm.s32 @!p0 $0x1BF5;
	p2 =	por !p2, p0  }
0x20: {  	[sflag:s8] =	ssyncset.s32 @!p0 $0xFFFFF086;
	s6 =	sadd.s32 @!p0 s3, s7;
	s7 =	simm.s32 @!p0 $0x108  }
0x21: {  	s3 =	sadd.s32 s3, s9;
	s6 =	sadd.s32 @!p0 $0x88, s6;
	s7 =	simm.s32 @p2 $0x1082  }
0x22: {  	[simem:s7], [sflag:s8] =	dma.local @!p0 [hbm:s6], $0xF7A  }
0x23: {  	s9 =	sor.u32 $0xD0000000, s2;
	s6 =	simm.s32 $0x108;
	_ =	swait.ge @!p0 [sflag:s8], $0x0  }
0x24: {  	s3 =	sadd.s32 $0x88, s3;
	s6 =	simm.s32 @!p1 $0x1082;
	[sflag:s4] =	ssyncset.s32 $0xFFFFF086  }
0x25: {  	[simem:s6], [sflag:s4] =	dma.local [hbm:s3], $0xF7A  }
0x26: {  	[smem:$0x3F93] =	sst s1;
	(tag) =	ssettag s2;
	_ =	strace s9  }
0x27: {  	s1 =	sld [smem:$0x3FA3]  }
0x28: {  	s2 =	sld [smem:$0x3FA4]  }
0x29: {  	s4 =	sld [smem:$0x3FA6]  }
0x2a: {  	p0 =	seq.s32 s5, $0x0;
	s5 =	sld [smem:$0x3FA7]  }
0x2b: {  	s6 =	sld [smem:$0x3FA8]  }
0x2c: {  	s7 =	sld [smem:$0x3FA9]  }
0x2d: {  	s3 =	simm.s32 $0x108;
	s8 =	sld [smem:$0x3FAA]  }
0x2e: {  	s3 =	simm.s32 @!p0 $0x1082;
	s9 =	sld [smem:$0x3FAB]  }
0x2f: {  	lr =	sadd.s32 s0, s3;
	s0 =	sld [smem:$0x3FA2]  }
0x30: {  	s3 =	sld [smem:$0x3FA5]  }
0x31: {  	[smem:$0x3FAE] =	sst s10  }
0x32: {  	s10 =	sld [smem:$0x3FAC];
	_ =	sdelay $0x3  }
0x33: {  	p0 =	seq.s32 s10, $0x1;
	s10 =	sld [smem:$0x3FAE];
	_ =	sdelay $0x3  }
0x34: {  	[smem:$0x3FAE] =	sst s10  }
0x35: {  	s10 =	sld [smem:$0x3FAD];
	_ =	sdelay $0x3  }
0x36: {  	p1 =	seq.s32 s10, $0x1;
	s10 =	sld [smem:$0x3FAE];
	_ =	sdelay $0x3  }
0x37: {  	[smem:$0x3FAE] =	sst s10  }
0x38: {  	s10 =	sld [smem:$0x3FAF]  }
0x39: {  	_ = 	snop;
	(pc) =	sbr.ind lr, $3  }
0x3a: {  	_ = 	snop  }
0x3b: {  	_ = 	snop  }
0x3c: {  	p2 =	seq.s32 s10, $0x1;
	s10 =	sld [smem:$0x3FAE]  }
0x3d: {  	_ =	shalt  }
0x3e: {  	_ =	shalt  }
0x3f: {  	_ =	shalt  }
0x40: {  	_ =	shalt  }
0x41: {  	_ =	shalt  }
0x42: {  	_ =	shalt  }
0x43: {  	_ =	shalt  }
0x44: {  	_ =	shalt  }
0x45: {  	_ =	shalt  }
0x46: {  	_ =	shalt  }
0x47: {  	_ =	shalt  }
0x48: {  	_ =	shalt  }
0x49: {  	_ =	shalt  }
0x4a: {  	_ =	shalt  }
0x4b: {  	_ =	shalt  }
0x4c: {  	_ =	shalt  }
0x4d: {  	_ =	shalt  }
0x4e: {  	_ =	shalt  }
0x4f: {  	_ =	shalt  }
0x50: {  	_ =	shalt  }
0x51: {  	_ =	shalt  }
0x52: {  	_ =	shalt  }
0x53: {  	_ =	shalt  }
0x54: {  	_ =	shalt  }
0x55: {  	_ =	shalt  }
0x56: {  	_ =	shalt  }
0x57: {  	_ =	shalt  }
0x58: {  	_ =	shalt  }
0x59: {  	_ =	shalt  }
0x5a: {  	_ =	shalt  }
0x5b: {  	_ =	shalt  }
0x5c: {  	_ =	shalt  }
0x5d: {  	_ =	shalt  }
0x5e: {  	_ =	shalt  }
0x5f: {  	_ =	shalt  }
0x60: {  	_ =	shalt  }
0x61: {  	_ =	shalt  }
0x62: {  	_ =	shalt  }
0x63: {  	_ =	shalt  }
0x64: {  	_ =	shalt  }
0x65: {  	_ =	shalt  }
0x66: {  	_ =	shalt  }
0x67: {  	_ =	shalt  }
0x68: {  	_ =	shalt  }
0x69: {  	_ =	shalt  }
0x6a: {  	_ =	shalt  }
0x6b: {  	_ =	shalt  }
0x6c: {  	_ =	shalt  }
0x6d: {  	_ =	shalt  }
0x6e: {  	_ =	shalt  }
0x6f: {  	_ =	shalt  }
0x70: {  	_ =	shalt  }
0x71: {  	_ =	shalt  }
0x72: {  	_ =	shalt  }
0x73: {  	_ =	shalt  }
0x74: {  	_ =	shalt  }
0x75: {  	_ =	shalt  }
0x76: {  	_ =	shalt  }
0x77: {  	_ =	shalt  }
0x78: {  	_ =	shalt  }
0x79: {  	_ =	shalt  }
0x7a: {  	_ =	shalt  }
0x7b: {  	_ =	shalt  }
0x7c: {  	_ =	shalt  }
0x7d: {  	_ =	shalt  }
0x7e: {  	_ =	shalt  }
0x7f: {  	_ =	shalt  }
0x80: {  	_ =	shalt  }
0x81: {  	_ =	shalt  }
0x82: {  	_ =	shalt  }
0x83: {  	_ =	shalt  }
0x84: {  	_ =	shalt  }
0x85: {  	_ =	shalt  }
0x86: {  	_ =	shalt  }
0x87: {  	_ =	shalt  }
.Lfunc_end0:
.L_simem_size_0:
called_computation.2_lowered:
.L_overlay_start_0:
0x88: {  	s2 =	sld [smem:$0x3FD9]  }
0x89: {  	s3 =	sld [smem:$0x3FFE];
	_ =	sdelay $0x1  }
0x8a: {  	s1 =	srdreg.scid  }
0x8b: {  	s0 =	sand.u32 $0x1, s1  }
0x8c: {  	s17 =	sshll.u32 s0, $0xA;
	s2 =	sadd.s32 s3, s2  }
0x8d: {  	s2 =	sadd.s32 s2, s17  }
0x8e: {  	[smem:$0x3FBA] =	sst s2  }
0x8f: {  	_ = 	snop  }
0x90: {  	s2 =	sld [smem:$0x3FD0];
	(tm) =	ssettm $0x1  }
0x91: {  	s18 =	sld [smem:$0x3FFB];
	_ =	sdelay $0x3  }
0x92: {  	_ =	strace s18  }
0x93: {  	s3 =	sld [smem:$0x3FFC];
	_ =	sdelay $0x3  }
0x94: {  	_ =	strace s3  }
0x95: {  	s3 =	sld [smem:$0x3FFD];
	_ =	sdelay $0x3  }
0x96: {  	_ =	strace s3  }
0x97: {  	_ =	strace $0x8FFFFFFF  }
0x98: {  	s19 =	sld [smem:$0x3FDB];
	_ =	sdelay $0x1  }
0x99: {  	s4 =	simm.s32 $_scs_section_size  }
0x9a: {  	s5 =	simm.s32 $_size__tile_overlayer_lowered;
	s6 =	simm.s32 $_tile_overlayer_lowered  }
0x9b: {  	s22 =	simm.s32 $0x1BFF;
	s21 =	sshll.u32 s6, $0x1;
	s3 =	sadd.s32 s4, s19  }
0x9c: {  	s7 =	simm.s32 $0x0;
	s20 =	sshll.u32 s5, $0x1;
	s5 =	sadd.s32 s21, s3  }
0x9d: {  	[timem:s7], [sflag:s22] =	dma.local [hbm:s5], s20  }
0x9e: {  	_ =	swait.ge [sflag:s22], s20  }
0x9f: {  	s4 =	ssub.s32 $0x0, s20;
	[sflag:s22] =	ssyncset.done $0x0  }
0xa0: {  	[sflag:s22] =	ssyncadd.s32 s4;
	_ =	sdelay $0x1  }
0xa1: {  	s23 =	simm.s32 $0x1B8B  }
0xa2: {  	_ =	swait.ge [sflag:s23], $0x1  }
0xa3: {  	[sflag:s23] =	ssyncset.done $0x0  }
0xa4: {  	s25 =	simm.s32 $0x1B8E;
	s24 =	sld [smem:$0x3FFE];
	[sflag:s23] =	ssyncadd.s32 $0xFFFFFFFF  }
0xa5: {  	s26 =	simm.s32 $execute0_lowered;
	[smem:$0x3FD2] =	sst s25  }
0xa6: {  	s5 =	sshll.u32 s26, $0x1;
	_ =	strace $0x8000004C;
	[dreg:$0x1] =	wrdreg $0xFFFFFFFF  }
0xa7: {  	s28 =	simm.s32 $_size_execute0_lowered;
	s3 =	sadd.s32 s3, s5;
	[dreg:$0x0] =	wrdreg $0x0  }
0xa8: {  	s5 =	sshll.u32 s28, $0x1;
	[dreg:$0x2] =	wrdreg s3  }
0xa9: {  	[dreg:$0x3] =	wrdreg s5  }
0xaa: {  	[dreg:$0x4] =	wrdreg $0xC0  }
0xab: {  	_ =	task [dreg:s7], $0x5FFFF  }
0xac: {  	[dreg:$0x1] =	wrdreg $0xFFFFFFFF  }
0xad: {  	[dreg:$0x0] =	wrdreg $0x60  }
0xae: {  	[dreg:$0x2] =	wrdreg s24  }
0xaf: {  	[dreg:$0x3] =	wrdreg s2  }
0xb0: {  	[dreg:$0x4] =	wrdreg $0x41000  }
0xb1: {  	[dreg:$0x5] =	wrdreg $0x9  }
0xb2: {  	_ =	task.clear_ibuf [dreg:s7], $0x6FFFF;
	_ =	strace $0x9000004C  }
0xb3: {  	s29 =	simm.s32 $0x9;
	_ =	strace $0x8000004E  }
0xb4: {  	_ =	swait.ge [sflag:s29], $0x1  }
0xb5: {  	[sflag:s29] =	ssyncadd.s32 $0xFFFFFFFF  }
0xb6: {  	_ =	strace $0x9000004E  }
0xb7: {  	_ =	sfence  }
0xb8: {  	s30 =	sld [smem:$0x0];
	_ =	sdelay $0x2  }
0xb9: {  	s31 =	sshll.u32 s1, $0xD;
	s1 =	sshrl.u32 s1, $0x2  }
0xba: {  	s3 =	sand.u32 $0x4000, s31;
	s1 =	sadd.s32 s1, s30  }
0xbb: {  	s0 =	sor.u32 s3, s0;
	s1 =	sshll.u32 s1, $0x11  }
0xbc: {  	s0 =	sor.u32 s1, s0  }
0xbd: {  	s0 =	sadd.s32 $0x8F2B, s0  }
0xbe: {  	[sflag:s0] =	ssyncadd.remote.s32 $0x1  }
0xbf: {  	_ =	sfence.sel $0xFFFF  }
0xc0: {  	[dreg:$0x0] =	wrdreg $0xFFFFFFFF;
	(pc) =	sbr.abs _section_cstart, $3  }
0xc1: {  	[dreg:$0x1] =	wrdreg $0xFFFFFFFF  }
0xc2: {  	_ =	task.clear_ibuf [dreg:s7], $0x2FFFF;
	_ =	strace $0x9FFFFFFF  }
0xc3: {  	(tm) =	ssettm $0x7FFFFFFF  }
tec
execute0_lowered:
.L_overlay_start_1:
0x0: {  	(tag) =	ssettag $0x1  }
0x1: {  	s6 =	rddreg [dreg:$0x0]  }
0x2: {  	s18 =	rddreg [dreg:$0x1]  }
0x3: {  	s2 =	rddreg [dreg:$0x2]  }
0x4: {  	s0 =	rddreg [dreg:$0x3]  }
0x5: {  	s1 =	stileid.u32;
	s4 =	srdreg.scid  }
0x6: {  	s3 =	simm.s32 $0x0;
	s22 =	simm.s32 $0x1;
	s19 =	smul.u32 $0xA00, s1  }
0x7: {  	s23 =	simm.s32 $0x0;
	s11 =	sand.u32 $0x1, s4;
	s7 =	smul.u32 $0x280, s1  }
0x8: {  	[smem:$0x7FF] =	sst s3;
	s4 =	sadd.s32 $0xCE00, s6;
	s9 =	smul.u32 $0x50000, s1  }
0x9: {  	s5 =	sadd.s32 $0x34E00, s6;
	s8 =	smul.u32 $0x2800, s11;
	_ =	strace $0x8000004D  }
0xa: {  	s30 =	ssub.s32 $0x2, s11;
	s20 =	smul.u32 $0x500, s11;
	s16 =	sadd.s32 s19, s6  }
0xb: {  	s9 =	sshrl.u32 s9, $0x2;
	s31 =	sshrl.u32 s30, $0x1;
	s18 =	sadd.s32 s19, s18  }
0xc: {  	s19 =	simm.s32 $0x100;
	s7 =	sadd.s32 s7, s8;
	s17 =	ssub.s32 s30, s31  }
0xd: {  	s21 =	sadd.s32 s20, s16;
	s18 =	sadd.s32 s20, s18;
	s20 =	simm.s32 $0x2  }
0xe: {  	s7 =	sshll.u32 s7, $0x4;
	s16 =	smax.u32 s17, $0x1;
	s17 =	sadd.s32 $0x2E00, s21  }
0xf: {  	s21 =	simm.s32 $0x80;
	s15 =	sadd.s32 s7, s6;
	s6 =	sadd.s32 s9, s2  }
0x10: {  	s7 =	sadd.s32 $0x4000, s6;
	s8 =	sadd.s32 $0x8000, s6;
	s9 =	sadd.s32 $0xC000, s6  }
0x11: {  	s10 =	sadd.s32 $0x10000, s6;
	s11 =	sadd.s32 $0x35600, s15;
	s12 =	sadd.s32 $0x35E00, s15  }
0x12: {  	s13 =	sadd.s32 $0x36600, s15;
	s14 =	sadd.s32 $0x36E00, s15;
	s15 =	sadd.s32 $0x37600, s15  }
.LBB2_1:
0x13: {  	[tilespmem:s19], [sflag:$0x2] =	stream.linear.gather [hbm4b:s5+s3], $0x4000, $0x38;
	[tilespmem:$0x18100] =	vst v63  }
0x14: {  	_ =	swait.ge [sflag:s20], $0x4000  }
0x15: {  	[sflag:s20] =	ssyncset.done $0x0  }
0x16: {  	[sflag:s20] =	ssyncadd.s32 $0xFFFFC000  }
0x17: {  	[spmem:s6] =	stream.linear.scatter [tilespmem:s19], [sflag:$0x2], $0x4000, $0x38;
	[tilespmem:$0x18100] =	vst v63  }
0x18: {  	_ =	swait.ge [sflag:s20], $0x4000  }
0x19: {  	[sflag:s20] =	ssyncset.done $0x0  }
0x1a: {  	[sflag:s20] =	ssyncadd.s32 $0xFFFFC000  }
0x1b: {  	[spmem:s7] =	stream.linear.scatter [tilespmem:s19], [sflag:$0x2], $0x4000, $0x38;
	[tilespmem:$0x18100] =	vst v63  }
0x1c: {  	_ =	swait.ge [sflag:s20], $0x4000  }
0x1d: {  	[sflag:s20] =	ssyncset.done $0x0  }
0x1e: {  	[sflag:s20] =	ssyncadd.s32 $0xFFFFC000  }
0x1f: {  	[spmem:s8] =	stream.linear.scatter [tilespmem:s19], [sflag:$0x2], $0x4000, $0x38;
	[tilespmem:$0x18100] =	vst v63  }
0x20: {  	_ =	swait.ge [sflag:s20], $0x4000  }
0x21: {  	[sflag:s20] =	ssyncset.done $0x0  }
0x22: {  	[sflag:s20] =	ssyncadd.s32 $0xFFFFC000  }
0x23: {  	[spmem:s9] =	stream.linear.scatter [tilespmem:s19], [sflag:$0x2], $0x4000, $0x38;
	[tilespmem:$0x18100] =	vst v63  }
0x24: {  	_ =	swait.ge [sflag:s20], $0x4000  }
0x25: {  	[sflag:s20] =	ssyncset.done $0x0  }
0x26: {  	[sflag:s20] =	ssyncadd.s32 $0xFFFFC000  }
0x27: {  	[spmem:s10] =	stream.linear.scatter [tilespmem:s19], [sflag:$0x2], $0x4000, $0x38;
	[tilespmem:$0x18100] =	vst v63  }
0x28: {  	_ =	swait.ge [sflag:s20], $0x4000  }
0x29: {  	[sflag:s20] =	ssyncset.done $0x0  }
0x2a: {  	[sflag:s20] =	ssyncadd.s32 $0xFFFFC000  }
0x2b: {  	s24 =	sadd.s32 $0x0, s18;
	[bflag:$0x0] =	sbarrier.arrive $0xFFFF  }
0x2c: {  	[tilespmem:s3], [sflag:$0x2] =	stream.linear.gather [hbm4b:s24+s3], $0x80, $0x38;
	[tilespmem:$0x18100] =	vst v63  }
0x2d: {  	_ =	swait.ge [sflag:s20], $0x80  }
0x2e: {  	[sflag:s20] =	ssyncset.done $0x0  }
0x2f: {  	s31 =	sadd.s32 $0x0, s17;
	[sflag:s20] =	ssyncadd.s32 $0xFFFFFF80  }
0x30: {  	[tilespmem:s21], [sflag:$0x2] =	stream.linear.gather [hbm4b:s31+s3], $0x80, $0x38;
	[tilespmem:$0x18100] =	vst v63  }
0x31: {  	_ =	swait.ge [sflag:s20], $0x80  }
0x32: {  	[sflag:s20] =	ssyncset.done $0x0  }
0x33: {  	[sflag:s20] =	ssyncadd.s32 $0xFFFFFF80  }
0x34: {  	[tilespmem:s19], [sflag:$0x1] =	stream.indirect.gather [hbm4b:s4+s21], $0x80, s3, s21, $0xb8;
	[tilespmem:$0x18100] =	vst v63  }
0x35: {  	_ =	swait.ge [sflag:s22], $0x4000  }
0x36: {  	[sflag:s22] =	ssyncset.done $0x0  }
0x37: {  	[sflag:s22] =	ssyncadd.s32 $0xFFFFC000  }
0x38: {  	[spmem:s2] =	stream.indirect.scatter.add.f32 [tilespmem:s19], [sflag:$0x2], $0x80, s21, s21, $0xb8;
	[tilespmem:$0x18100] =	vst v63  }
0x39: {  	_ =	swait.ge [sflag:s20], $0x4000  }
0x3a: {  	s25 =	simm.s32 $0x20;
	s24 =	simm.s32 $0x10;
	[sflag:s20] =	ssyncset.done $0x0  }
.LBB2_2:
0x3b: {  	s26 =	sadd.s32 s24, s18  }
0x3c: {  	[sflag:s20] =	ssyncadd.s32 $0xFFFFC000;
	s28 =	smov.u32 s25;
	s29 =	sadd.s32 $0x10, s25  }
0x3d: {  	[tilespmem:s3], [sflag:$0x2] =	stream.linear.gather [hbm4b:s26+s3], $0x80, $0x38;
	[tilespmem:$0x18100] =	vst v63  }
0x3e: {  	p0 =	sne.s32 s25, $0x4F0;
	_ =	swait.ge [sflag:s20], $0x80  }
0x3f: {  	[sflag:s20] =	ssyncset.done $0x0  }
0x40: {  	s25 =	sadd.s32 s24, s17;
	s24 =	smov.u32 s28;
	[sflag:s20] =	ssyncadd.s32 $0xFFFFFF80  }
0x41: {  	[tilespmem:s21], [sflag:$0x2] =	stream.linear.gather [hbm4b:s25+s3], $0x80, $0x38;
	[tilespmem:$0x18100] =	vst v63  }
0x42: {  	_ =	swait.ge [sflag:s20], $0x80  }
0x43: {  	[sflag:s20] =	ssyncset.done $0x0  }
0x44: {  	[sflag:s20] =	ssyncadd.s32 $0xFFFFFF80  }
0x45: {  	[tilespmem:s19], [sflag:$0x1] =	stream.indirect.gather [hbm4b:s4+s21], $0x80, s3, s21, $0xb8;
	[tilespmem:$0x18100] =	vst v63  }
0x46: {  	_ =	swait.ge [sflag:s22], $0x4000  }
.Ltmp0:
0x47: {  	[sflag:s22] =	ssyncset.done $0x0;
	(pc) =	sbr.rel @p0 .LBB2_2-.Ltmp0, $4  }
0x48: {  	[sflag:s22] =	ssyncadd.s32 $0xFFFFC000  }
0x49: {  	[spmem:s2] =	stream.indirect.scatter.add.f32 [tilespmem:s19], [sflag:$0x2], $0x80, s21, s21, $0xb8;
	[tilespmem:$0x18100] =	vst v63  }
0x4a: {  	_ =	swait.ge [sflag:s20], $0x4000  }
0x4b: {  	s25 =	smov.u32 s29;
	[sflag:s20] =	ssyncset.done $0x0  }
0x4c: {  	s25 =	sadd.s32 s24, s18;
	[sflag:s20] =	ssyncadd.s32 $0xFFFFC000  }
0x4d: {  	[tilespmem:s3], [sflag:$0x2] =	stream.linear.gather [hbm4b:s25+s3], $0x80, $0x38;
	[tilespmem:$0x18100] =	vst v63  }
0x4e: {  	_ =	swait.ge [sflag:s20], $0x80  }
0x4f: {  	[sflag:s20] =	ssyncset.done $0x0  }
0x50: {  	s31 =	sadd.s32 s24, s17;
	[sflag:s20] =	ssyncadd.s32 $0xFFFFFF80  }
0x51: {  	[tilespmem:s21], [sflag:$0x2] =	stream.linear.gather [hbm4b:s31+s3], $0x80, $0x38;
	[tilespmem:$0x18100] =	vst v63  }
0x52: {  	_ =	swait.ge [sflag:s20], $0x80  }
0x53: {  	[sflag:s20] =	ssyncset.done $0x0  }
0x54: {  	[sflag:s20] =	ssyncadd.s32 $0xFFFFFF80  }
0x55: {  	[tilespmem:s19], [sflag:$0x1] =	stream.indirect.gather [hbm4b:s4+s21], $0x80, s3, s21, $0xb8;
	[tilespmem:$0x18100] =	vst v63  }
0x56: {  	_ =	swait.ge [sflag:s22], $0x4000  }
0x57: {  	[sflag:s22] =	ssyncset.done $0x0  }
0x58: {  	[sflag:s22] =	ssyncadd.s32 $0xFFFFC000  }
0x59: {  	[spmem:s2] =	stream.indirect.scatter.add.f32 [tilespmem:s19], [sflag:$0x2], $0x80, s21, s21, $0xb8;
	[tilespmem:$0x18100] =	vst v63  }
0x5a: {  	_ =	swait.ge [sflag:s20], $0x4000  }
0x5b: {  	[sflag:s20] =	ssyncset.done $0x0  }
0x5c: {  	[sflag:s20] =	ssyncadd.s32 $0xFFFFC000  }
0x5d: {  	[bflag:$0x0] =	sbarrier.arrive $0xFFFF  }
0x5e: {  	[tilespmem:s19], [sflag:$0x2] =	stream.linear.gather [spmem:s6], $0x4000, $0x38;
	[tilespmem:$0x18100] =	vst v63  }
0x5f: {  	_ =	swait.ge [sflag:s20], $0x4000  }
0x60: {  	[sflag:s20] =	ssyncset.done $0x0  }
0x61: {  	[sflag:s20] =	ssyncadd.s32 $0xFFFFC000  }
0x62: {  	[hbm4b:s11+s3] =	stream.linear.scatter [tilespmem:s19], [sflag:$0x2], $0x4000, $0x38;
	[tilespmem:$0x18100] =	vst v63  }
0x63: {  	_ =	swait.ge [sflag:s20], $0x4000  }
0x64: {  	[sflag:s20] =	ssyncset.done $0x0  }
0x65: {  	[sflag:s20] =	ssyncadd.s32 $0xFFFFC000  }
0x66: {  	[tilespmem:s19], [sflag:$0x2] =	stream.linear.gather [spmem:s7], $0x4000, $0x38;
	[tilespmem:$0x18100] =	vst v63  }
0x67: {  	_ =	swait.ge [sflag:s20], $0x4000  }
0x68: {  	[sflag:s20] =	ssyncset.done $0x0  }
0x69: {  	[sflag:s20] =	ssyncadd.s32 $0xFFFFC000  }
0x6a: {  	[hbm4b:s12+s3] =	stream.linear.scatter [tilespmem:s19], [sflag:$0x2], $0x4000, $0x38;
	[tilespmem:$0x18100] =	vst v63  }
0x6b: {  	_ =	swait.ge [sflag:s20], $0x4000  }
0x6c: {  	[sflag:s20] =	ssyncset.done $0x0  }
0x6d: {  	[sflag:s20] =	ssyncadd.s32 $0xFFFFC000  }
0x6e: {  	[tilespmem:s19], [sflag:$0x2] =	stream.linear.gather [spmem:s8], $0x4000, $0x38;
	[tilespmem:$0x18100] =	vst v63  }
0x6f: {  	_ =	swait.ge [sflag:s20], $0x4000  }
0x70: {  	[sflag:s20] =	ssyncset.done $0x0  }
0x71: {  	[sflag:s20] =	ssyncadd.s32 $0xFFFFC000  }
0x72: {  	[hbm4b:s13+s3] =	stream.linear.scatter [tilespmem:s19], [sflag:$0x2], $0x4000, $0x38;
	[tilespmem:$0x18100] =	vst v63  }
0x73: {  	_ =	swait.ge [sflag:s20], $0x4000  }
0x74: {  	[sflag:s20] =	ssyncset.done $0x0  }
0x75: {  	[sflag:s20] =	ssyncadd.s32 $0xFFFFC000  }
0x76: {  	[tilespmem:s19], [sflag:$0x2] =	stream.linear.gather [spmem:s9], $0x4000, $0x38;
	[tilespmem:$0x18100] =	vst v63  }
0x77: {  	_ =	swait.ge [sflag:s20], $0x4000  }
0x78: {  	[sflag:s20] =	ssyncset.done $0x0  }
0x79: {  	[sflag:s20] =	ssyncadd.s32 $0xFFFFC000  }
0x7a: {  	[hbm4b:s14+s3] =	stream.linear.scatter [tilespmem:s19], [sflag:$0x2], $0x4000, $0x38;
	[tilespmem:$0x18100] =	vst v63  }
0x7b: {  	_ =	swait.ge [sflag:s20], $0x4000  }
0x7c: {  	[sflag:s20] =	ssyncset.done $0x0  }
0x7d: {  	[sflag:s20] =	ssyncadd.s32 $0xFFFFC000  }
0x7e: {  	[tilespmem:s19], [sflag:$0x2] =	stream.linear.gather [spmem:s10], $0x4000, $0x38;
	[tilespmem:$0x18100] =	vst v63  }
0x7f: {  	s23 =	sadd.s32 $0x1, s23;
	_ =	swait.ge [sflag:s20], $0x4000  }
0x80: {  	p0 =	sne.s32 s23, s16;
	[sflag:s20] =	ssyncset.done $0x0  }
.Ltmp1:
0x81: {  	[sflag:s20] =	ssyncadd.s32 $0xFFFFC000;
	(pc) =	sbr.rel @p0 .LBB2_1-.Ltmp1, $4  }
0x82: {  	[hbm4b:s15+s3] =	stream.linear.scatter [tilespmem:s19], [sflag:$0x2], $0x4000, $0x38;
	[tilespmem:$0x18100] =	vst v63  }
0x83: {  	_ =	swait.ge [sflag:s20], $0x4000  }
0x84: {  	[sflag:s20] =	ssyncset.done $0x0  }
0x85: {  	[sflag:s20] =	ssyncadd.s32 $0xFFFFC000  }
0x86: {  	_ =	sfence.sel $0x180000  }
0x87: {  	[bflag:$0x0] =	sbarrier.arrive $0xFFFF  }
0x88: {  	p0 =	sne.s32 s1, $0x0;
	_ =	strace $0x9000004D  }
0x89: {  	s0 =	sadd.s32 @!p0 $0x100000, s0;
	[bflag:$0x2] =	sbarrier.arrive $0xFFFF  }
0x8a: {  	[sflag:s0] =	ssyncadd.tile.s32 @!p0 $0x1;
	_ =	shalt  }
.Lfunc_end2:
_tile_overlayer_lowered:
.L_overlay_start_2:
0x8b: {  	(tag) =	ssettag $0x2  }
0x8c: {  	s0 =	rddreg [dreg:$0x0];
	s2 =	stileid.u32  }
0x8d: {  	s1 =	rddreg [dreg:$0x1];
	p0 =	sne.s32 s2, $0x0  }
0x8e: {  	s3 =	rddreg [dreg:$0x2];
	[bflag:$0x3] =	sbarrier.arrive $0xFFFF;
	s2 =	simm.s32 @!p0 $0x1C02  }
0x8f: {  	[timem:s3], [sflag:s2] =	dma.local @!p0 [hbm:s0], s1  }
0x90: {  	s0 =	simm.s32 @!p0 $0x2  }
0x91: {  	_ =	swait.ge @!p0 [sflag:s0], s1  }
0x92: {  	s1 =	ssub.s32 @!p0 $0x0, s1;
	[sflag:s0] =	ssyncset.done @!p0 $0x0  }
0x93: {  	[sflag:s0] =	ssyncadd.s32 @!p0 s1  }
0x94: {  	[bflag:$0x3] =	sbarrier.arrive $0xFFFF  }
0x95: {  	_ =	shalt  }

// kernel: kernel.7.cloned.1.call-start
scs
__scs_entry_jumppad:
0x0: {  	(pc) =	sbr.rel $0x88, $3  }
0x1: {  	(tag) =	ssettag $0x0;
	lr =	simm.s32 $0x1  }
0x2: {  	[smem:$0x3F93] =	sst lr;
	_ =	strace $0xD0000000  }
0x3: {  	_ = 	snop  }
0x4: {  	_ = 	snop  }
0x5: {  	_ = 	snop  }
0x6: {  	_ = 	snop  }
0x7: {  	_ = 	snop  }
__scs_overlays_trampoline_lowered:
0x8: {  	[smem:$0x3FA2] =	sst s0  }
0x9: {  	[smem:$0x3FA3] =	sst s1  }
0xa: {  	[smem:$0x3FA4] =	sst s2  }
0xb: {  	[smem:$0x3FA5] =	sst s3  }
0xc: {  	[smem:$0x3FA6] =	sst s4  }
0xd: {  	[smem:$0x3FA7] =	sst s5  }
0xe: {  	[smem:$0x3FA8] =	sst s6  }
0xf: {  	[smem:$0x3FA9] =	sst s7  }
0x10: {  	[smem:$0x3FAA] =	sst s8  }
0x11: {  	[smem:$0x3FAB] =	sst s9;
	s0 =	simm.s32 @!p0 $0x0  }
0x12: {  	s1 =	sld [smem:$0x3F91];
	s0 =	simm.s32 @p0 $0x1  }
0x13: {  	[smem:$0x3FAC] =	sst s0;
	s0 =	simm.s32 @!p1 $0x0  }
0x14: {  	s2 =	sld [smem:$0x3F90];
	s0 =	simm.s32 @p1 $0x1  }
0x15: {  	[smem:$0x3FAD] =	sst s0;
	s0 =	simm.s32 @!p2 $0x0  }
0x16: {  	s3 =	sld [smem:$0x3FDB];
	s0 =	simm.s32 @p2 $0x1  }
0x17: {  	s4 =	simm.s32 $0x1BF5;
	[smem:$0x3FAF] =	sst s0  }
0x18: {  	s0 =	sld [smem:$0x3F92];
	_ =	swait.ge [sflag:s4], $0x0  }
0x19: {  	s7 =	sld [smem:$0x3F93]  }
0x1a: {  	s8 =	sadd.s32 $0xFFFFE003, lr  }
0x1b: {  	s9 =	sadd.s32 $0xFFFFFEF7, lr;
	s5 =	simm.s32 $0xFFFFFFFF;
	p2 =	slt.u32 s8, $0xFFFFF086  }
0x1c: {  	p1 =	slt.u32 s9, $0xF7A;
	s5 =	simm.s32 @!p2 $0x0  }
0x1d: {  	s5 =	simm.s32 @p1 $0x1;
	p0 =	seq.s32 s7, s2  }
0x1e: {  	s7 =	smul.u32 @!p0 $0xF7A, s2;
	p2 =	seq.s32 @!p0 s5, $0x0  }
0x1f: {  	s9 =	smul.u32 $0xF7A, s1;
	s8 =	simm.s32 @!p0 $0x1BF5;
	p2 =	por !p2, p0  }
0x20: {  	[sflag:s8] =	ssyncset.s32 @!p0 $0xFFFFF086;
	s6 =	sadd.s32 @!p0 s3, s7;
	s7 =	simm.s32 @!p0 $0x108  }
0x21: {  	s3 =	sadd.s32 s3, s9;
	s6 =	sadd.s32 @!p0 $0x88, s6;
	s7 =	simm.s32 @p2 $0x1082  }
0x22: {  	[simem:s7], [sflag:s8] =	dma.local @!p0 [hbm:s6], $0xF7A  }
0x23: {  	s9 =	sor.u32 $0xD0000000, s2;
	s6 =	simm.s32 $0x108;
	_ =	swait.ge @!p0 [sflag:s8], $0x0  }
0x24: {  	s3 =	sadd.s32 $0x88, s3;
	s6 =	simm.s32 @!p1 $0x1082;
	[sflag:s4] =	ssyncset.s32 $0xFFFFF086  }
0x25: {  	[simem:s6], [sflag:s4] =	dma.local [hbm:s3], $0xF7A  }
0x26: {  	[smem:$0x3F93] =	sst s1;
	(tag) =	ssettag s2;
	_ =	strace s9  }
0x27: {  	s1 =	sld [smem:$0x3FA3]  }
0x28: {  	s2 =	sld [smem:$0x3FA4]  }
0x29: {  	s4 =	sld [smem:$0x3FA6]  }
0x2a: {  	p0 =	seq.s32 s5, $0x0;
	s5 =	sld [smem:$0x3FA7]  }
0x2b: {  	s6 =	sld [smem:$0x3FA8]  }
0x2c: {  	s7 =	sld [smem:$0x3FA9]  }
0x2d: {  	s3 =	simm.s32 $0x108;
	s8 =	sld [smem:$0x3FAA]  }
0x2e: {  	s3 =	simm.s32 @!p0 $0x1082;
	s9 =	sld [smem:$0x3FAB]  }
0x2f: {  	lr =	sadd.s32 s0, s3;
	s0 =	sld [smem:$0x3FA2]  }
0x30: {  	s3 =	sld [smem:$0x3FA5]  }
0x31: {  	[smem:$0x3FAE] =	sst s10  }
0x32: {  	s10 =	sld [smem:$0x3FAC];
	_ =	sdelay $0x3  }
0x33: {  	p0 =	seq.s32 s10, $0x1;
	s10 =	sld [smem:$0x3FAE];
	_ =	sdelay $0x3  }
0x34: {  	[smem:$0x3FAE] =	sst s10  }
0x35: {  	s10 =	sld [smem:$0x3FAD];
	_ =	sdelay $0x3  }
0x36: {  	p1 =	seq.s32 s10, $0x1;
	s10 =	sld [smem:$0x3FAE];
	_ =	sdelay $0x3  }
0x37: {  	[smem:$0x3FAE] =	sst s10  }
0x38: {  	s10 =	sld [smem:$0x3FAF]  }
0x39: {  	_ = 	snop;
	(pc) =	sbr.ind lr, $3  }
0x3a: {  	_ = 	snop  }
0x3b: {  	_ = 	snop  }
0x3c: {  	p2 =	seq.s32 s10, $0x1;
	s10 =	sld [smem:$0x3FAE]  }
0x3d: {  	_ =	shalt  }
0x3e: {  	_ =	shalt  }
0x3f: {  	_ =	shalt  }
0x40: {  	_ =	shalt  }
0x41: {  	_ =	shalt  }
0x42: {  	_ =	shalt  }
0x43: {  	_ =	shalt  }
0x44: {  	_ =	shalt  }
0x45: {  	_ =	shalt  }
0x46: {  	_ =	shalt  }
0x47: {  	_ =	shalt  }
0x48: {  	_ =	shalt  }
0x49: {  	_ =	shalt  }
0x4a: {  	_ =	shalt  }
0x4b: {  	_ =	shalt  }
0x4c: {  	_ =	shalt  }
0x4d: {  	_ =	shalt  }
0x4e: {  	_ =	shalt  }
0x4f: {  	_ =	shalt  }
0x50: {  	_ =	shalt  }
0x51: {  	_ =	shalt  }
0x52: {  	_ =	shalt  }
0x53: {  	_ =	shalt  }
0x54: {  	_ =	shalt  }
0x55: {  	_ =	shalt  }
0x56: {  	_ =	shalt  }
0x57: {  	_ =	shalt  }
0x58: {  	_ =	shalt  }
0x59: {  	_ =	shalt  }
0x5a: {  	_ =	shalt  }
0x5b: {  	_ =	shalt  }
0x5c: {  	_ =	shalt  }
0x5d: {  	_ =	shalt  }
0x5e: {  	_ =	shalt  }
0x5f: {  	_ =	shalt  }
0x60: {  	_ =	shalt  }
0x61: {  	_ =	shalt  }
0x62: {  	_ =	shalt  }
0x63: {  	_ =	shalt  }
0x64: {  	_ =	shalt  }
0x65: {  	_ =	shalt  }
0x66: {  	_ =	shalt  }
0x67: {  	_ =	shalt  }
0x68: {  	_ =	shalt  }
0x69: {  	_ =	shalt  }
0x6a: {  	_ =	shalt  }
0x6b: {  	_ =	shalt  }
0x6c: {  	_ =	shalt  }
0x6d: {  	_ =	shalt  }
0x6e: {  	_ =	shalt  }
0x6f: {  	_ =	shalt  }
0x70: {  	_ =	shalt  }
0x71: {  	_ =	shalt  }
0x72: {  	_ =	shalt  }
0x73: {  	_ =	shalt  }
0x74: {  	_ =	shalt  }
0x75: {  	_ =	shalt  }
0x76: {  	_ =	shalt  }
0x77: {  	_ =	shalt  }
0x78: {  	_ =	shalt  }
0x79: {  	_ =	shalt  }
0x7a: {  	_ =	shalt  }
0x7b: {  	_ =	shalt  }
0x7c: {  	_ =	shalt  }
0x7d: {  	_ =	shalt  }
0x7e: {  	_ =	shalt  }
0x7f: {  	_ =	shalt  }
0x80: {  	_ =	shalt  }
0x81: {  	_ =	shalt  }
0x82: {  	_ =	shalt  }
0x83: {  	_ =	shalt  }
0x84: {  	_ =	shalt  }
0x85: {  	_ =	shalt  }
0x86: {  	_ =	shalt  }
0x87: {  	_ =	shalt  }
.Lfunc_end0:
.L_simem_size_0:
called_computation_lowered:
.L_overlay_start_0:
0x88: {  	s2 =	sld [smem:$0x3FD9]  }
0x89: {  	s3 =	sld [smem:$0x3FFE];
	_ =	sdelay $0x1  }
0x8a: {  	s1 =	srdreg.scid  }
0x8b: {  	s0 =	sand.u32 $0x1, s1  }
0x8c: {  	s17 =	sshll.u32 s0, $0xA;
	s2 =	sadd.s32 s3, s2  }
0x8d: {  	s2 =	sadd.s32 s2, s17  }
0x8e: {  	[smem:$0x3FBA] =	sst s2  }
0x8f: {  	_ = 	snop  }
0x90: {  	(tm) =	ssettm $0x1  }
0x91: {  	s18 =	sld [smem:$0x3FFB];
	_ =	sdelay $0x3  }
0x92: {  	_ =	strace s18  }
0x93: {  	s2 =	sld [smem:$0x3FFC];
	_ =	sdelay $0x3  }
0x94: {  	_ =	strace s2  }
0x95: {  	s2 =	sld [smem:$0x3FFD];
	_ =	sdelay $0x3  }
0x96: {  	_ =	strace s2  }
0x97: {  	_ =	strace $0x8FFFFFFF  }
0x98: {  	s19 =	sld [smem:$0x3FDB];
	_ =	sdelay $0x1  }
0x99: {  	s20 =	simm.s32 $_scs_section_size  }
0x9a: {  	s4 =	simm.s32 $_size__tile_overlayer_lowered;
	s5 =	simm.s32 $_tile_overlayer_lowered  }
0x9b: {  	s6 =	simm.s32 $0x1BFF;
	s21 =	sshll.u32 s5, $0x1;
	s3 =	sadd.s32 s20, s19  }
0x9c: {  	s22 =	simm.s32 $0x0;
	s4 =	sshll.u32 s4, $0x1;
	s5 =	sadd.s32 s21, s3  }
0x9d: {  	[timem:s22], [sflag:s6] =	dma.local [hbm:s5], s4  }
0x9e: {  	_ =	swait.ge [sflag:s6], s4  }
0x9f: {  	s4 =	ssub.s32 $0x0, s4;
	[sflag:s6] =	ssyncset.done $0x0  }
0xa0: {  	[sflag:s6] =	ssyncadd.s32 s4;
	_ =	sdelay $0x1  }
0xa1: {  	s23 =	simm.s32 $0x1B8B  }
0xa2: {  	_ =	swait.ge [sflag:s23], $0x1  }
0xa3: {  	[sflag:s23] =	ssyncset.done $0x0  }
0xa4: {  	[sflag:s23] =	ssyncadd.s32 $0xFFFFFFFF  }
0xa5: {  	s4 =	sld [smem:$0x0]  }
0xa6: {  	s5 =	sand.u32 $0xFFFFFFFE, s1  }
0xa7: {  	p0 =	sne.s32 s1, s5  }
0xa8: {  	s5 =	sshll.u32 @p0 s5, $0xE  }
0xa9: {  	s5 =	sadd.s32 @p0 $0x11B8D, s5;
	s6 =	sshll.u32 @p0 s4, $0x11  }
0xaa: {  	s5 =	sor.u32 @p0 s6, s5  }
0xab: {  	[sflag:s5] =	ssyncadd.remote.s32 @p0 $0x1;
	_ =	sdelay $0x1  }
0xac: {  	s5 =	simm.s32 @p0 $0x1B8D  }
0xad: {  	_ =	swait.eq @p0 [sflag:s5], $0x1  }
0xae: {  	[sflag:s5] =	ssyncadd.s32 @p0 $0xFFFFFFFF  }
0xaf: {  	s6 =	sshll.u32 @!p0 s1, $0xE  }
0xb0: {  	s6 =	sor.u32 @!p0 $0x4000, s6;
	s5 =	simm.s32 @!p0 $0x1B8D  }
0xb1: {  	s4 =	sshll.u32 @!p0 s4, $0x11;
	s6 =	sadd.s32 @!p0 $0x11B8D, s6;
	_ =	swait.eq @!p0 [sflag:s5], $0x1  }
0xb2: {  	s4 =	sor.u32 @!p0 s4, s6;
	[sflag:s5] =	ssyncadd.s32 @!p0 $0xFFFFFFFF  }
0xb3: {  	s25 =	simm.s32 $0x1B8E;
	s24 =	sld [smem:$0x3FFE];
	[sflag:s4] =	ssyncadd.remote.s32 @!p0 $0x1  }
0xb4: {  	s26 =	simm.s32 $execute0_lowered;
	[smem:$0x3FD2] =	sst s25  }
0xb5: {  	s5 =	sshll.u32 s26, $0x1;
	_ =	strace $0x80000049;
	[dreg:$0x1] =	wrdreg $0xFFFFFFFF  }
0xb6: {  	s28 =	simm.s32 $_size_execute0_lowered;
	s3 =	sadd.s32 s3, s5;
	[dreg:$0x0] =	wrdreg $0x0  }
0xb7: {  	s5 =	sshll.u32 s28, $0x1;
	[dreg:$0x2] =	wrdreg s3  }
0xb8: {  	[dreg:$0x3] =	wrdreg s5  }
0xb9: {  	[dreg:$0x4] =	wrdreg $0xC0  }
0xba: {  	_ =	task [dreg:s22], $0x5FFFF  }
0xbb: {  	[dreg:$0x1] =	wrdreg $0xFFFFFFFF  }
0xbc: {  	[dreg:$0x0] =	wrdreg $0x60  }
0xbd: {  	[dreg:$0x2] =	wrdreg s24  }
0xbe: {  	[dreg:$0x3] =	wrdreg $0x40800  }
0xbf: {  	[dreg:$0x4] =	wrdreg $0x9  }
0xc0: {  	_ =	task.clear_ibuf [dreg:s22], $0x5FFFF;
	_ =	strace $0x90000049  }
0xc1: {  	s29 =	simm.s32 $0x9;
	_ =	strace $0x8000004B  }
0xc2: {  	_ =	swait.ge [sflag:s29], $0x1  }
0xc3: {  	[sflag:s29] =	ssyncadd.s32 $0xFFFFFFFF  }
0xc4: {  	_ =	strace $0x9000004B  }
0xc5: {  	_ =	sfence  }
0xc6: {  	s30 =	sld [smem:$0x0];
	_ =	sdelay $0x2  }
0xc7: {  	s31 =	sshll.u32 s1, $0xD;
	s1 =	sshrl.u32 s1, $0x2  }
0xc8: {  	s4 =	sand.u32 $0x4000, s31;
	s1 =	sadd.s32 s1, s30  }
0xc9: {  	s0 =	sor.u32 s4, s0;
	s1 =	sshll.u32 s1, $0x11  }
0xca: {  	s0 =	sor.u32 s1, s0  }
0xcb: {  	s0 =	sadd.s32 $0x8F2B, s0  }
0xcc: {  	[sflag:s0] =	ssyncadd.remote.s32 $0x1  }
0xcd: {  	_ =	sfence.sel $0xFFFF  }
0xce: {  	[dreg:$0x0] =	wrdreg $0xFFFFFFFF;
	(pc) =	sbr.abs _section_cstart, $3  }
0xcf: {  	[dreg:$0x1] =	wrdreg $0xFFFFFFFF  }
0xd0: {  	_ =	task.clear_ibuf [dreg:s22], $0x2FFFF;
	_ =	strace $0x9FFFFFFF  }
0xd1: {  	(tm) =	ssettm $0x7FFFFFFF  }
tec
execute0_lowered:
.L_overlay_start_1:
0x0: {  	(tag) =	ssettag $0x1  }
0x1: {  	s7 =	rddreg [dreg:$0x0]  }
0x2: {  	s2 =	rddreg [dreg:$0x1]  }
0x3: {  	s0 =	rddreg [dreg:$0x2];
	s1 =	stileid.u32  }
0x4: {  	s5 =	srdreg.scid;
	s3 =	simm.s32 $0x0;
	s4 =	smul.u32 $0xA00, s1  }
0x5: {  	s19 =	simm.s32 $0x1;
	s20 =	simm.s32 $0x0;
	s6 =	smul.u32 $0x280, s1  }
0x6: {  	s10 =	sand.u32 $0x1, s5;
	[smem:$0x7FF] =	sst s3;
	s9 =	smul.u32 $0x50000, s1  }
0x7: {  	s5 =	sadd.s32 $0x85600, s7;
	s8 =	smul.u32 $0x2800, s10;
	_ =	strace $0x8000004A  }
0x8: {  	s31 =	ssub.s32 $0x2, s10;
	s18 =	smul.u32 $0x500, s10;
	s15 =	sadd.s32 s4, s7  }
0x9: {  	s4 =	sadd.s32 $0x34E00, s7;
	s12 =	sshrl.u32 s31, $0x1;
	s6 =	sadd.s32 s6, s8  }
0xa: {  	s9 =	sshrl.u32 s9, $0x2;
	s17 =	ssub.s32 s31, s12;
	s11 =	sshll.u32 s6, $0x4  }
0xb: {  	s18 =	sadd.s32 s18, s15;
	s6 =	sadd.s32 s9, s2;
	s16 =	sadd.s32 s11, s7  }
0xc: {  	s7 =	sadd.s32 $0x4000, s6;
	s8 =	sadd.s32 $0x8000, s6;
	s9 =	sadd.s32 $0xC000, s6  }
0xd: {  	s10 =	sadd.s32 $0x10000, s6;
	s11 =	sadd.s32 $0x85E00, s16;
	s12 =	sadd.s32 $0x86600, s16  }
0xe: {  	s13 =	sadd.s32 $0x86E00, s16;
	s14 =	sadd.s32 $0x87600, s16;
	s15 =	sadd.s32 $0x87E00, s16  }
0xf: {  	s16 =	smax.u32 s17, $0x1;
	s17 =	sadd.s32 $0x2E00, s18;
	s18 =	simm.s32 $0x80  }
.LBB2_1:
0x10: {  	[tilespmem:s18], [sflag:$0x1] =	stream.linear.gather [hbm4b:s4+s3], $0x4000, $0x38;
	[tilespmem:$0x18080] =	vst v63  }
0x11: {  	_ =	swait.ge [sflag:s19], $0x4000  }
0x12: {  	[sflag:s19] =	ssyncset.done $0x0  }
0x13: {  	[sflag:s19] =	ssyncadd.s32 $0xFFFFC000  }
0x14: {  	[spmem:s6] =	stream.linear.scatter [tilespmem:s18], [sflag:$0x1], $0x4000, $0x38;
	[tilespmem:$0x18080] =	vst v63  }
0x15: {  	_ =	swait.ge [sflag:s19], $0x4000  }
0x16: {  	[sflag:s19] =	ssyncset.done $0x0  }
0x17: {  	[sflag:s19] =	ssyncadd.s32 $0xFFFFC000  }
0x18: {  	[spmem:s7] =	stream.linear.scatter [tilespmem:s18], [sflag:$0x1], $0x4000, $0x38;
	[tilespmem:$0x18080] =	vst v63  }
0x19: {  	_ =	swait.ge [sflag:s19], $0x4000  }
0x1a: {  	[sflag:s19] =	ssyncset.done $0x0  }
0x1b: {  	[sflag:s19] =	ssyncadd.s32 $0xFFFFC000  }
0x1c: {  	[spmem:s8] =	stream.linear.scatter [tilespmem:s18], [sflag:$0x1], $0x4000, $0x38;
	[tilespmem:$0x18080] =	vst v63  }
0x1d: {  	_ =	swait.ge [sflag:s19], $0x4000  }
0x1e: {  	[sflag:s19] =	ssyncset.done $0x0  }
0x1f: {  	[sflag:s19] =	ssyncadd.s32 $0xFFFFC000  }
0x20: {  	[spmem:s9] =	stream.linear.scatter [tilespmem:s18], [sflag:$0x1], $0x4000, $0x38;
	[tilespmem:$0x18080] =	vst v63  }
0x21: {  	_ =	swait.ge [sflag:s19], $0x4000  }
0x22: {  	[sflag:s19] =	ssyncset.done $0x0  }
0x23: {  	[sflag:s19] =	ssyncadd.s32 $0xFFFFC000  }
0x24: {  	[spmem:s10] =	stream.linear.scatter [tilespmem:s18], [sflag:$0x1], $0x4000, $0x38;
	[tilespmem:$0x18080] =	vst v63  }
0x25: {  	_ =	swait.ge [sflag:s19], $0x4000  }
0x26: {  	[sflag:s19] =	ssyncset.done $0x0  }
0x27: {  	[sflag:s19] =	ssyncadd.s32 $0xFFFFC000  }
0x28: {  	[tilespmem:s18], [sflag:$0x1] =	stream.linear.gather [hbm4b:s5+s3], $0x4000, $0x38;
	[tilespmem:$0x18080] =	vst v63  }
0x29: {  	_ =	swait.ge [sflag:s19], $0x4000  }
0x2a: {  	[sflag:s19] =	ssyncset.done $0x0  }
0x2b: {  	[sflag:s19] =	ssyncadd.s32 $0xFFFFC000  }
0x2c: {  	s21 =	sadd.s32 $0x0, s17;
	[bflag:$0x0] =	sbarrier.arrive $0xFFFF  }
0x2d: {  	[tilespmem:s3], [sflag:$0x1] =	stream.linear.gather [hbm4b:s21+s3], $0x80, $0x38;
	[tilespmem:$0x18080] =	vst v63  }
0x2e: {  	_ =	swait.ge [sflag:s19], $0x80  }
0x2f: {  	[sflag:s19] =	ssyncset.done $0x0  }
0x30: {  	[sflag:s19] =	ssyncadd.s32 $0xFFFFFF80  }
0x31: {  	[spmem:s2] =	stream.indirect.scatter.add.f32 [tilespmem:s18], [sflag:$0x1], $0x80, s3, s18, $0xb8;
	[tilespmem:$0x18080] =	vst v63  }
0x32: {  	_ =	swait.ge [sflag:s19], $0x4000  }
0x33: {  	s22 =	simm.s32 $0x20;
	s21 =	simm.s32 $0x10;
	[sflag:s19] =	ssyncset.done $0x0  }
.LBB2_2:
0x34: {  	s23 =	sadd.s32 s21, s17  }
0x35: {  	[sflag:s19] =	ssyncadd.s32 $0xFFFFC000;
	s21 =	smov.u32 s22;
	s24 =	sadd.s32 $0x10, s22  }
0x36: {  	[tilespmem:s3], [sflag:$0x1] =	stream.linear.gather [hbm4b:s23+s3], $0x80, $0x38;
	[tilespmem:$0x18080] =	vst v63  }
0x37: {  	p0 =	sne.s32 s22, $0x4F0;
	_ =	swait.ge [sflag:s19], $0x80  }
.Ltmp0:
0x38: {  	[sflag:s19] =	ssyncset.done $0x0;
	(pc) =	sbr.rel @p0 .LBB2_2-.Ltmp0, $4  }
0x39: {  	[sflag:s19] =	ssyncadd.s32 $0xFFFFFF80  }
0x3a: {  	[spmem:s2] =	stream.indirect.scatter.add.f32 [tilespmem:s18], [sflag:$0x1], $0x80, s3, s18, $0xb8;
	[tilespmem:$0x18080] =	vst v63  }
0x3b: {  	_ =	swait.ge [sflag:s19], $0x4000  }
0x3c: {  	s22 =	smov.u32 s24;
	[sflag:s19] =	ssyncset.done $0x0  }
0x3d: {  	s21 =	sadd.s32 s21, s17;
	[sflag:s19] =	ssyncadd.s32 $0xFFFFC000  }
0x3e: {  	[tilespmem:s3], [sflag:$0x1] =	stream.linear.gather [hbm4b:s21+s3], $0x80, $0x38;
	[tilespmem:$0x18080] =	vst v63  }
0x3f: {  	_ =	swait.ge [sflag:s19], $0x80  }
0x40: {  	[sflag:s19] =	ssyncset.done $0x0  }
0x41: {  	[sflag:s19] =	ssyncadd.s32 $0xFFFFFF80  }
0x42: {  	[spmem:s2] =	stream.indirect.scatter.add.f32 [tilespmem:s18], [sflag:$0x1], $0x80, s3, s18, $0xb8;
	[tilespmem:$0x18080] =	vst v63  }
0x43: {  	_ =	swait.ge [sflag:s19], $0x4000  }
0x44: {  	[sflag:s19] =	ssyncset.done $0x0  }
0x45: {  	[sflag:s19] =	ssyncadd.s32 $0xFFFFC000  }
0x46: {  	[bflag:$0x0] =	sbarrier.arrive $0xFFFF  }
0x47: {  	[tilespmem:s18], [sflag:$0x1] =	stream.linear.gather [spmem:s6], $0x4000, $0x38;
	[tilespmem:$0x18080] =	vst v63  }
0x48: {  	_ =	swait.ge [sflag:s19], $0x4000  }
0x49: {  	[sflag:s19] =	ssyncset.done $0x0  }
0x4a: {  	[sflag:s19] =	ssyncadd.s32 $0xFFFFC000  }
0x4b: {  	[hbm4b:s11+s3] =	stream.linear.scatter [tilespmem:s18], [sflag:$0x1], $0x4000, $0x38;
	[tilespmem:$0x18080] =	vst v63  }
0x4c: {  	_ =	swait.ge [sflag:s19], $0x4000  }
0x4d: {  	[sflag:s19] =	ssyncset.done $0x0  }
0x4e: {  	[sflag:s19] =	ssyncadd.s32 $0xFFFFC000  }
0x4f: {  	[tilespmem:s18], [sflag:$0x1] =	stream.linear.gather [spmem:s7], $0x4000, $0x38;
	[tilespmem:$0x18080] =	vst v63  }
0x50: {  	_ =	swait.ge [sflag:s19], $0x4000  }
0x51: {  	[sflag:s19] =	ssyncset.done $0x0  }
0x52: {  	[sflag:s19] =	ssyncadd.s32 $0xFFFFC000  }
0x53: {  	[hbm4b:s12+s3] =	stream.linear.scatter [tilespmem:s18], [sflag:$0x1], $0x4000, $0x38;
	[tilespmem:$0x18080] =	vst v63  }
0x54: {  	_ =	swait.ge [sflag:s19], $0x4000  }
0x55: {  	[sflag:s19] =	ssyncset.done $0x0  }
0x56: {  	[sflag:s19] =	ssyncadd.s32 $0xFFFFC000  }
0x57: {  	[tilespmem:s18], [sflag:$0x1] =	stream.linear.gather [spmem:s8], $0x4000, $0x38;
	[tilespmem:$0x18080] =	vst v63  }
0x58: {  	_ =	swait.ge [sflag:s19], $0x4000  }
0x59: {  	[sflag:s19] =	ssyncset.done $0x0  }
0x5a: {  	[sflag:s19] =	ssyncadd.s32 $0xFFFFC000  }
0x5b: {  	[hbm4b:s13+s3] =	stream.linear.scatter [tilespmem:s18], [sflag:$0x1], $0x4000, $0x38;
	[tilespmem:$0x18080] =	vst v63  }
0x5c: {  	_ =	swait.ge [sflag:s19], $0x4000  }
0x5d: {  	[sflag:s19] =	ssyncset.done $0x0  }
0x5e: {  	[sflag:s19] =	ssyncadd.s32 $0xFFFFC000  }
0x5f: {  	[tilespmem:s18], [sflag:$0x1] =	stream.linear.gather [spmem:s9], $0x4000, $0x38;
	[tilespmem:$0x18080] =	vst v63  }
0x60: {  	_ =	swait.ge [sflag:s19], $0x4000  }
0x61: {  	[sflag:s19] =	ssyncset.done $0x0  }
0x62: {  	[sflag:s19] =	ssyncadd.s32 $0xFFFFC000  }
0x63: {  	[hbm4b:s14+s3] =	stream.linear.scatter [tilespmem:s18], [sflag:$0x1], $0x4000, $0x38;
	[tilespmem:$0x18080] =	vst v63  }
0x64: {  	_ =	swait.ge [sflag:s19], $0x4000  }
0x65: {  	[sflag:s19] =	ssyncset.done $0x0  }
0x66: {  	[sflag:s19] =	ssyncadd.s32 $0xFFFFC000  }
0x67: {  	[tilespmem:s18], [sflag:$0x1] =	stream.linear.gather [spmem:s10], $0x4000, $0x38;
	[tilespmem:$0x18080] =	vst v63  }
0x68: {  	s20 =	sadd.s32 $0x1, s20;
	_ =	swait.ge [sflag:s19], $0x4000  }
0x69: {  	p0 =	sne.s32 s20, s16;
	[sflag:s19] =	ssyncset.done $0x0  }
.Ltmp1:
0x6a: {  	[sflag:s19] =	ssyncadd.s32 $0xFFFFC000;
	(pc) =	sbr.rel @p0 .LBB2_1-.Ltmp1, $4  }
0x6b: {  	[hbm4b:s15+s3] =	stream.linear.scatter [tilespmem:s18], [sflag:$0x1], $0x4000, $0x38;
	[tilespmem:$0x18080] =	vst v63  }
0x6c: {  	_ =	swait.ge [sflag:s19], $0x4000  }
0x6d: {  	[sflag:s19] =	ssyncset.done $0x0  }
0x6e: {  	[sflag:s19] =	ssyncadd.s32 $0xFFFFC000  }
0x6f: {  	_ =	sfence.sel $0x180000  }
0x70: {  	[bflag:$0x0] =	sbarrier.arrive $0xFFFF  }
0x71: {  	p0 =	sne.s32 s1, $0x0;
	_ =	strace $0x9000004A  }
0x72: {  	s0 =	sadd.s32 @!p0 $0x100000, s0;
	[bflag:$0x2] =	sbarrier.arrive $0xFFFF  }
0x73: {  	[sflag:s0] =	ssyncadd.tile.s32 @!p0 $0x1;
	_ =	shalt  }
.Lfunc_end2:
_tile_overlayer_lowered:
.L_overlay_start_2:
0x74: {  	(tag) =	ssettag $0x2  }
0x75: {  	s0 =	rddreg [dreg:$0x0];
	s2 =	stileid.u32  }
0x76: {  	s1 =	rddreg [dreg:$0x1];
	p0 =	sne.s32 s2, $0x0  }
0x77: {  	s3 =	rddreg [dreg:$0x2];
	[bflag:$0x3] =	sbarrier.arrive $0xFFFF;
	s2 =	simm.s32 @!p0 $0x1C01  }
0x78: {  	[timem:s3], [sflag:s2] =	dma.local @!p0 [hbm:s0], s1  }
0x79: {  	s0 =	simm.s32 @!p0 $0x1  }
0x7a: {  	_ =	swait.ge @!p0 [sflag:s0], s1  }
0x7b: {  	s1 =	ssub.s32 @!p0 $0x0, s1;
	[sflag:s0] =	ssyncset.done @!p0 $0x0  }
0x7c: {  	[sflag:s0] =	ssyncadd.s32 @!p0 s1  }
0x7d: {  	[bflag:$0x3] =	sbarrier.arrive $0xFFFF  }
0x7e: {  	_ =	shalt  }

</sc_bundles>
